<compile_context>
chip_gen: v7x
topology: tpu7x:2x2x1
jax: 0.10.2.dev20260603
libtpu: 0.0.44.dev20260713+nightly
codegen_flags: <defaults>
</compile_context>

<pallas_src>
import functools

import jax
import jax.numpy as jnp
from jax import lax
from jax.experimental import pallas as pl
from jax.experimental.pallas import tpu as pltpu
from jax.experimental.pallas import tpu_sc as plsc

MAX_DEPTH = 20.0
VALID_THRESHOLD = 1e-06
MIN_VALID_POINTS = 10

B = 16
HW = 512 * 512
HALF = HW // 2
CHUNK = 32768
NCH = HALF // CHUNK
VPC = CHUNK // 16


def _sc_kernel(x_hbm, y_hbm, out_hbm, xv, yv, ov, stg, stg2, shared):
    c = lax.axis_index("c")
    s = lax.axis_index("s")
    batch = c * 8 + s // 2
    half = s % 2
    base = batch * HW + half * HALF

    zero16 = jnp.zeros((16,), jnp.float32)
    accs = (zero16, zero16, zero16, zero16, zero16)

    def chunk_body(k, accs):
        pltpu.sync_copy(x_hbm.at[pl.ds(base + k * CHUNK, CHUNK)], xv)
        pltpu.sync_copy(y_hbm.at[pl.ds(base + k * CHUNK, CHUNK)], yv)

        def body(t, accs):
            n_a, xs_a, xx_a, ys_a, xy_a = accs
            xr = xv[pl.ds(t * 16, 16)]
            yr = yv[pl.ds(t * 16, 16)]
            m = (yr > VALID_THRESHOLD) & (yr <= MAX_DEPTH)
            xm = jnp.where(m, xr, 0.0)
            ym = jnp.where(m, yr, 0.0)
            return (
                n_a + jnp.where(m, 1.0, 0.0),
                xs_a + xm,
                xx_a + xm * xm,
                ys_a + ym,
                xy_a + xm * ym,
            )

        return lax.fori_loop(0, VPC, body, accs)

    accs = lax.fori_loop(0, NCH, chunk_body, accs)

    for j, a in enumerate(accs):
        stg[j, :] = a
    pltpu.sync_copy(stg, shared.at[c, s])
    plsc.subcore_barrier()
    partner = s + 1 - 2 * (s % 2)
    pltpu.sync_copy(shared.at[c, partner], stg2)

    def lane_total(j):
        v = stg[j, :] + stg2[j, :]
        tot = v[0]
        for l in range(1, 16):
            tot = tot + v[l]
        return tot

    n = jnp.full((16,), lane_total(0))
    x_sum = jnp.full((16,), lane_total(1))
    x_sq_sum = jnp.full((16,), lane_total(2))
    y_sum = jnp.full((16,), lane_total(3))
    xy_sum = jnp.full((16,), lane_total(4))

    det = n * x_sq_sum - x_sum * x_sum
    valid = (n >= jnp.float32(MIN_VALID_POINTS)) & (jnp.abs(det) >= 1e-08)
    safe_det = jnp.where(valid, det, 1.0)
    scale = jnp.where(valid, (n * xy_sum - x_sum * y_sum) / safe_det, 1.0)
    bias = jnp.where(valid, (x_sq_sum * y_sum - x_sum * xy_sum) / safe_det, 0.0)

    def apply_chunk(k, carry):
        pltpu.sync_copy(x_hbm.at[pl.ds(base + k * CHUNK, CHUNK)], xv)

        def body(t, carry):
            ov[pl.ds(t * 16, 16)] = scale * xv[pl.ds(t * 16, 16)] + bias
            return carry

        lax.fori_loop(0, VPC, body, 0)
        pltpu.sync_copy(ov, out_hbm.at[pl.ds(base + k * CHUNK, CHUNK)])
        return carry

    lax.fori_loop(0, NCH, apply_chunk, 0)


def kernel(non_scale_dense, sparse_depth):
    b, ch, h, w = non_scale_dense.shape
    x = non_scale_dense.reshape(-1)
    y = sparse_depth.reshape(-1)
    run = functools.partial(
        pl.kernel,
        mesh=plsc.VectorSubcoreMesh(core_axis_name="c", subcore_axis_name="s"),
        out_type=jax.ShapeDtypeStruct((b * h * w,), jnp.float32),
        scratch_types=[
            pltpu.VMEM((CHUNK,), jnp.float32),
            pltpu.VMEM((CHUNK,), jnp.float32),
            pltpu.VMEM((CHUNK,), jnp.float32),
            pltpu.VMEM((5, 16), jnp.float32),
            pltpu.VMEM((5, 16), jnp.float32),
            pltpu.VMEM_SHARED((2, 16, 5, 16), jnp.float32),
        ],
    )(_sc_kernel)
    out = run(x, y)
    return out.reshape(b, ch, h, w)

# --- scband reference (transcript-rebuilt; emitter-appended) ---
"""Pipeline reference for scband-depth-scale-corrector-32744830665233 (READ-ONLY COPY).

The authoritative reference and input builder live on the scoring server;
editing this copy changes nothing except your own understanding.
"""

import jax, jax.numpy as jnp
import numpy as np

MAX_DEPTH = 20.0
VALID_THRESHOLD = 1e-06
MIN_VALID_POINTS = 10


def setup_inputs(seed: int = 0) -> dict:
    key = jax.random.key(seed)
    k1, k2 = jax.random.split(key)
    non_scale_dense = jax.random.normal(k1, (16, 1, 512, 512), dtype=jnp.float32)
    sparse_depth = jax.random.uniform(k2, (16, 1, 512, 512), dtype=jnp.float32)
    return {"non_scale_dense": non_scale_dense, "sparse_depth": sparse_depth}


def reference(non_scale_dense, sparse_depth):
    # squeeze channel dim (single-channel path of the torch module)
    x = non_scale_dense[:, 0]  # [B, H, W]
    y = sparse_depth[:, 0]     # [B, H, W]
    valid_mask = (y > VALID_THRESHOLD) & (y <= MAX_DEPTH)
    m = valid_mask.astype(x.dtype)
    # masked segment-style reductions per batch element
    n = m.sum(axis=(1, 2))
    x_sum = (x * m).sum(axis=(1, 2))
    x_sq_sum = (x * x * m).sum(axis=(1, 2))
    y_sum = (y * m).sum(axis=(1, 2))
    xy_sum = (x * y * m).sum(axis=(1, 2))
    det = n * x_sq_sum - x_sum * x_sum
    sufficient = n >= MIN_VALID_POINTS
    nonsingular = jnp.abs(det) >= 1e-08
    valid = sufficient & nonsingular
    safe_det = jnp.where(valid, det, 1.0)
    scales = jnp.where(valid, (n * xy_sum - x_sum * y_sum) / safe_det, 1.0)
    biases = jnp.where(valid, (x_sq_sum * y_sum - x_sum * xy_sum) / safe_det, 0.0)
    corrected = scales[:, None, None] * x + biases[:, None, None]
    corrected = corrected[:, None, :, :]  # restore [B, 1, H, W]
    return corrected

if __name__ == "__main__":
    import jax
    _d = setup_inputs()
    print(jax.jit(kernel)(*tuple(_d.values())))

</pallas_src>

<mosaic_0001>
#map = affine_map<(d0, d1) -> (0)>
module attributes {stable_mosaic.version = 14 : i64} {
  func.func @_sc_kernel(%arg0: i32, %arg1: i32, %arg2: memref<4194304xf32, #tpu.memory_space<hbm>>, %arg3: memref<4194304xf32, #tpu.memory_space<hbm>>, %arg4: memref<4194304xf32, #tpu.memory_space<hbm>>, %arg5: memref<32768xf32, #tpu.memory_space<vmem>>, %arg6: memref<32768xf32, #tpu.memory_space<vmem>>, %arg7: memref<32768xf32, #tpu.memory_space<vmem>>, %arg8: memref<5x16xf32, #tpu.memory_space<vmem>>, %arg9: memref<5x16xf32, #tpu.memory_space<vmem>>, %arg10: memref<2x16x5x16xf32, #tpu.memory_space<vmem_shared>>) attributes {dimension_semantics = [#tpu.dimension_semantics<core_parallel>, #tpu.dimension_semantics<subcore_parallel>], iteration_bounds = array<i64: 2, 16>, scalar_prefetch = 0 : i64, scratch_operands = 6 : i64, tpu.core_type = #tpu.core_type<sc_vector_subcore>, window_params = [{transform_indices = #map}, {transform_indices = #map}, {transform_indices = #map}]} {
    %mul3A = arith.constant 8 : i32
    %mul3A_0 = arith.muli %arg0, %mul3A : i32
    %jit3A = arith.constant 2 : i32
    %div3A = arith.divsi %arg1, %jit3A : i32
    %sign3A = arith.constant 0 : i32
    %sign3A_1 = arith.cmpi sgt, %arg1, %sign3A : i32
    %sign3A_2 = arith.extui %sign3A_1 : i1 to i32
    %sign3A_3 = arith.constant 0 : i32
    %sign3A_4 = arith.cmpi slt, %arg1, %sign3A_3 : i32
    %sign3A_5 = arith.extui %sign3A_4 : i1 to i32
    %sign3A_6 = arith.subi %sign3A_2, %sign3A_5 : i32
    %sign3A_7 = arith.constant 0 : i32
    %sign3A_8 = arith.cmpi sgt, %jit3A, %sign3A_7 : i32
    %sign3A_9 = arith.extui %sign3A_8 : i1 to i32
    %sign3A_10 = arith.constant 0 : i32
    %sign3A_11 = arith.cmpi slt, %jit3A, %sign3A_10 : i32
    %sign3A_12 = arith.extui %sign3A_11 : i1 to i32
    %sign3A_13 = arith.subi %sign3A_9, %sign3A_12 : i32
    %ne3A = arith.cmpi ne, %sign3A_6, %sign3A_13 : i32
    %rem3A = arith.remsi %arg1, %jit3A : i32
    %ne3A_14 = arith.constant 0 : i32
    %ne3A_15 = arith.cmpi ne, %rem3A, %ne3A_14 : i32
    %and3A = arith.andi %ne3A, %ne3A_15 : i1
    %sub3A = arith.constant 1 : i32
    %sub3A_16 = arith.subi %div3A, %sub3A : i32
    %select_n3A = arith.select %and3A, %sub3A_16, %div3A : i32
    %add3A = arith.addi %mul3A_0, %select_n3A : i32
    %jit3A_17 = arith.constant 2 : i32
    %eq3A = arith.constant 0 : i32
    %eq3A_18 = arith.cmpi eq, %jit3A_17, %eq3A : i32
    %jit3A_19 = arith.constant 1 : i32
    %select_n3A_20 = arith.select %eq3A_18, %jit3A_19, %jit3A_17 : i32
    %rem3A_21 = arith.remsi %arg1, %select_n3A_20 : i32
    %ne3A_22 = arith.constant 0 : i32
    %ne3A_23 = arith.cmpi ne, %rem3A_21, %ne3A_22 : i32
    %lt3A = arith.constant 0 : i32
    %lt3A_24 = arith.cmpi slt, %rem3A_21, %lt3A : i32
    %lt3A_25 = arith.constant 0 : i32
    %lt3A_26 = arith.cmpi slt, %select_n3A_20, %lt3A_25 : i32
    %ne3A_27 = arith.xori %lt3A_24, %lt3A_26 : i1
    %and3A_28 = arith.andi %ne3A_27, %ne3A_23 : i1
    %add3A_29 = arith.addi %rem3A_21, %select_n3A_20 : i32
    %select_n3A_30 = arith.select %and3A_28, %add3A_29, %rem3A_21 : i32
    %mul3A_31 = arith.constant 262144 : i32
    %mul3A_32 = arith.muli %add3A, %mul3A_31 : i32
    %mul3A_33 = arith.constant 131072 : i32
    %mul3A_34 = arith.muli %select_n3A_30, %mul3A_33 : i32
    %add3A_35 = arith.addi %mul3A_32, %mul3A_34 : i32
    %broadcast_in_dim3A = arith.constant 0.000000e+00 : f32
    %broadcast_in_dim3A_36 = vector.broadcast %broadcast_in_dim3A : f32 to vector<16xf32>
    %scan3A = arith.constant 0 : i32
    %scan3A_37 = arith.constant 4 : i32
    %scan3A_38 = arith.addi %scan3A, %scan3A_37 : i32
    %scan3A_39 = arith.constant 1 : i32
    %scan3A_40:5 = scf.for %scan3A_416 = %scan3A to %scan3A_38 step %scan3A_39 iter_args(%scan3A_417 = %broadcast_in_dim3A_36, %scan3A_418 = %broadcast_in_dim3A_36, %scan3A_419 = %broadcast_in_dim3A_36, %scan3A_420 = %broadcast_in_dim3A_36, %scan3A_421 = %broadcast_in_dim3A_36) -> (vector<16xf32>, vector<16xf32>, vector<16xf32>, vector<16xf32>, vector<16xf32>)  : i32 {
      %mul3A_422 = arith.constant 32768 : i32
      %mul3A_423 = arith.muli %scan3A_416, %mul3A_422 : i32
      %add3A_424 = arith.addi %add3A_35, %mul3A_423 : i32
      "tpu.region"() ({
        %run_scoped3A = tpu.sem_alloc : memref<!tpu.dma_semaphore, #tpu.memory_space<semaphore_mem>>
        %dma_start3A = tpu.memref_slice %arg2[%add3A_424] : memref<4194304xf32, #tpu.memory_space<hbm>> -> memref<32768xf32, #tpu.memory_space<hbm>>
        %dma_start3A_434 = tpu.memref_slice %arg2[%add3A_424] : memref<4194304xf32, #tpu.memory_space<hbm>> -> memref<32768xf32, #tpu.memory_space<hbm>>
        tpu.enqueue_dma source(%dma_start3A_434 : memref<32768xf32, #tpu.memory_space<hbm>>) target(%arg5 : memref<32768xf32, #tpu.memory_space<vmem>>) target_semaphore(%run_scoped3A : memref<!tpu.dma_semaphore, #tpu.memory_space<semaphore_mem>>)
        %dma_wait3A = tpu.memref_slice %arg2[%add3A_424] : memref<4194304xf32, #tpu.memory_space<hbm>> -> memref<32768xf32, #tpu.memory_space<hbm>>
        %dma_wait3A_435 = tpu.memref_slice %arg2[%add3A_424] : memref<4194304xf32, #tpu.memory_space<hbm>> -> memref<32768xf32, #tpu.memory_space<hbm>>
        tpu.wait_dma2 semaphore(%run_scoped3A : memref<!tpu.dma_semaphore, #tpu.memory_space<semaphore_mem>>) src(%dma_wait3A_435 : memref<32768xf32, #tpu.memory_space<hbm>>) dst(%arg5 : memref<32768xf32, #tpu.memory_space<vmem>>)
        tpu.yield
      }) : () -> ()
      %mul3A_425 = arith.constant 32768 : i32
      %mul3A_426 = arith.muli %scan3A_416, %mul3A_425 : i32
      %add3A_427 = arith.addi %add3A_35, %mul3A_426 : i32
      "tpu.region"() ({
        %run_scoped3A = tpu.sem_alloc : memref<!tpu.dma_semaphore, #tpu.memory_space<semaphore_mem>>
        %dma_start3A = tpu.memref_slice %arg3[%add3A_427] : memref<4194304xf32, #tpu.memory_space<hbm>> -> memref<32768xf32, #tpu.memory_space<hbm>>
        %dma_start3A_434 = tpu.memref_slice %arg3[%add3A_427] : memref<4194304xf32, #tpu.memory_space<hbm>> -> memref<32768xf32, #tpu.memory_space<hbm>>
        tpu.enqueue_dma source(%dma_start3A_434 : memref<32768xf32, #tpu.memory_space<hbm>>) target(%arg6 : memref<32768xf32, #tpu.memory_space<vmem>>) target_semaphore(%run_scoped3A : memref<!tpu.dma_semaphore, #tpu.memory_space<semaphore_mem>>)
        %dma_wait3A = tpu.memref_slice %arg3[%add3A_427] : memref<4194304xf32, #tpu.memory_space<hbm>> -> memref<32768xf32, #tpu.memory_space<hbm>>
        %dma_wait3A_435 = tpu.memref_slice %arg3[%add3A_427] : memref<4194304xf32, #tpu.memory_space<hbm>> -> memref<32768xf32, #tpu.memory_space<hbm>>
        tpu.wait_dma2 semaphore(%run_scoped3A : memref<!tpu.dma_semaphore, #tpu.memory_space<semaphore_mem>>) src(%dma_wait3A_435 : memref<32768xf32, #tpu.memory_space<hbm>>) dst(%arg6 : memref<32768xf32, #tpu.memory_space<vmem>>)
        tpu.yield
      }) : () -> ()
      %scan3A_428 = arith.constant 0 : i32
      %scan3A_429 = arith.constant 2048 : i32
      %scan3A_430 = arith.addi %scan3A_428, %scan3A_429 : i32
      %scan3A_431 = arith.constant 1 : i32
      %scan3A_432:5 = scf.for %scan3A_434 = %scan3A_428 to %scan3A_430 step %scan3A_431 iter_args(%scan3A_435 = %scan3A_417, %scan3A_436 = %scan3A_418, %scan3A_437 = %scan3A_419, %scan3A_438 = %scan3A_420, %scan3A_439 = %scan3A_421) -> (vector<16xf32>, vector<16xf32>, vector<16xf32>, vector<16xf32>, vector<16xf32>)  : i32 {
        %mul3A_440 = arith.constant 16 : i32
        %mul3A_441 = arith.muli %scan3A_434, %mul3A_440 : i32
        %get3A_442 = arith.index_cast %mul3A_441 : i32 to index
        %get3A_443 = tpu.vector_load %arg5[%get3A_442] {strides = array<i32>} : memref<32768xf32, #tpu.memory_space<vmem>>, vector<16xf32>,
        %get3A_444 = vector.shape_cast %get3A_443 : vector<16xf32> to vector<16xf32>
        %mul3A_445 = arith.constant 16 : i32
        %mul3A_446 = arith.muli %scan3A_434, %mul3A_445 : i32
        %get3A_447 = arith.index_cast %mul3A_446 : i32 to index
        %get3A_448 = tpu.vector_load %arg6[%get3A_447] {strides = array<i32>} : memref<32768xf32, #tpu.memory_space<vmem>>, vector<16xf32>,
        %get3A_449 = vector.shape_cast %get3A_448 : vector<16xf32> to vector<16xf32>
        %gt3A = arith.constant 9.99999997E-7 : f32
        %gt3A_450 = vector.broadcast %gt3A : f32 to vector<16xf32>
        %gt3A_451 = arith.cmpf ogt, %get3A_449, %gt3A_450 : vector<16xf32>
        %le3A = arith.constant 2.000000e+01 : f32
        %le3A_452 = vector.broadcast %le3A : f32 to vector<16xf32>
        %le3A_453 = arith.cmpf ole, %get3A_449, %le3A_452 : vector<16xf32>
        %and3A_454 = arith.andi %gt3A_451, %le3A_453 : vector<16xi1>
        %jit3A_455 = arith.constant 0.000000e+00 : f32
        %broadcast_in_dim3A_456 = vector.broadcast %jit3A_455 : f32 to vector<16xf32>
        %select_n3A_457 = arith.select %and3A_454, %get3A_444, %broadcast_in_dim3A_456 : vector<16xi1>, vector<16xf32>
        %jit3A_458 = arith.constant 0.000000e+00 : f32
        %broadcast_in_dim3A_459 = vector.broadcast %jit3A_458 : f32 to vector<16xf32>
        %select_n3A_460 = arith.select %and3A_454, %get3A_449, %broadcast_in_dim3A_459 : vector<16xi1>, vector<16xf32>
        %jit3A_461 = arith.constant 1.000000e+00 : f32
        %jit3A_462 = arith.constant 0.000000e+00 : f32
        %broadcast_in_dim3A_463 = vector.broadcast %jit3A_461 : f32 to vector<16xf32>
        %broadcast_in_dim3A_464 = vector.broadcast %jit3A_462 : f32 to vector<16xf32>
        %select_n3A_465 = arith.select %and3A_454, %broadcast_in_dim3A_463, %broadcast_in_dim3A_464 : vector<16xi1>, vector<16xf32>
        %add3A_466 = arith.addf %scan3A_435, %select_n3A_465 : vector<16xf32>
        %add3A_467 = arith.addf %scan3A_436, %select_n3A_457 : vector<16xf32>
        %mul3A_468 = arith.mulf %select_n3A_457, %select_n3A_457 : vector<16xf32>
        %add3A_469 = arith.addf %scan3A_437, %mul3A_468 : vector<16xf32>
        %add3A_470 = arith.addf %scan3A_438, %select_n3A_460 : vector<16xf32>
        %mul3A_471 = arith.mulf %select_n3A_457, %select_n3A_460 : vector<16xf32>
        %add3A_472 = arith.addf %scan3A_439, %mul3A_471 : vector<16xf32>
        scf.yield %add3A_466, %add3A_467, %add3A_469, %add3A_470, %add3A_472 : vector<16xf32>, vector<16xf32>, vector<16xf32>, vector<16xf32>, vector<16xf32>
      }
      %scan3A_433 = arith.constant 2048 : i32
      scf.yield %scan3A_432#0, %scan3A_432#1, %scan3A_432#2, %scan3A_432#3, %scan3A_432#4 : vector<16xf32>, vector<16xf32>, vector<16xf32>, vector<16xf32>, vector<16xf32>
    }
    %scan3A_41 = arith.constant 4 : i32
    %swap3A = arith.constant 0 : i32
    %swap3A_42 = arith.index_cast %swap3A : i32 to index
    %swap3A_43 = arith.constant 0 : index
    %swap3A_44 = tpu.vector_load %arg8[%swap3A_42, %swap3A_43] {strides = array<i32>} : memref<5x16xf32, #tpu.memory_space<vmem>>, vector<1x16xf32>,
    %swap3A_45 = vector.shape_cast %swap3A_44 : vector<1x16xf32> to vector<16xf32>
    %swap3A_46 = vector.shape_cast %scan3A_40#0 : vector<16xf32> to vector<1x16xf32>
    tpu.vector_store %arg8[%swap3A_42, %swap3A_43], %swap3A_46 {strides = array<i32>} : memref<5x16xf32, #tpu.memory_space<vmem>>, vector<1x16xf32>,
    %swap3A_47 = arith.constant 1 : i32
    %swap3A_48 = arith.index_cast %swap3A_47 : i32 to index
    %swap3A_49 = arith.constant 0 : index
    %swap3A_50 = tpu.vector_load %arg8[%swap3A_48, %swap3A_49] {strides = array<i32>} : memref<5x16xf32, #tpu.memory_space<vmem>>, vector<1x16xf32>,
    %swap3A_51 = vector.shape_cast %swap3A_50 : vector<1x16xf32> to vector<16xf32>
    %swap3A_52 = vector.shape_cast %scan3A_40#1 : vector<16xf32> to vector<1x16xf32>
    tpu.vector_store %arg8[%swap3A_48, %swap3A_49], %swap3A_52 {strides = array<i32>} : memref<5x16xf32, #tpu.memory_space<vmem>>, vector<1x16xf32>,
    %swap3A_53 = arith.constant 2 : i32
    %swap3A_54 = arith.index_cast %swap3A_53 : i32 to index
    %swap3A_55 = arith.constant 0 : index
    %swap3A_56 = tpu.vector_load %arg8[%swap3A_54, %swap3A_55] {strides = array<i32>} : memref<5x16xf32, #tpu.memory_space<vmem>>, vector<1x16xf32>,
    %swap3A_57 = vector.shape_cast %swap3A_56 : vector<1x16xf32> to vector<16xf32>
    %swap3A_58 = vector.shape_cast %scan3A_40#2 : vector<16xf32> to vector<1x16xf32>
    tpu.vector_store %arg8[%swap3A_54, %swap3A_55], %swap3A_58 {strides = array<i32>} : memref<5x16xf32, #tpu.memory_space<vmem>>, vector<1x16xf32>,
    %swap3A_59 = arith.constant 3 : i32
    %swap3A_60 = arith.index_cast %swap3A_59 : i32 to index
    %swap3A_61 = arith.constant 0 : index
    %swap3A_62 = tpu.vector_load %arg8[%swap3A_60, %swap3A_61] {strides = array<i32>} : memref<5x16xf32, #tpu.memory_space<vmem>>, vector<1x16xf32>,
    %swap3A_63 = vector.shape_cast %swap3A_62 : vector<1x16xf32> to vector<16xf32>
    %swap3A_64 = vector.shape_cast %scan3A_40#3 : vector<16xf32> to vector<1x16xf32>
    tpu.vector_store %arg8[%swap3A_60, %swap3A_61], %swap3A_64 {strides = array<i32>} : memref<5x16xf32, #tpu.memory_space<vmem>>, vector<1x16xf32>,
    %swap3A_65 = arith.constant 4 : i32
    %swap3A_66 = arith.index_cast %swap3A_65 : i32 to index
    %swap3A_67 = arith.constant 0 : index
    %swap3A_68 = tpu.vector_load %arg8[%swap3A_66, %swap3A_67] {strides = array<i32>} : memref<5x16xf32, #tpu.memory_space<vmem>>, vector<1x16xf32>,
    %swap3A_69 = vector.shape_cast %swap3A_68 : vector<1x16xf32> to vector<16xf32>
    %swap3A_70 = vector.shape_cast %scan3A_40#4 : vector<16xf32> to vector<1x16xf32>
    tpu.vector_store %arg8[%swap3A_66, %swap3A_67], %swap3A_70 {strides = array<i32>} : memref<5x16xf32, #tpu.memory_space<vmem>>, vector<1x16xf32>,
    "tpu.region"() ({
      %run_scoped3A = tpu.sem_alloc : memref<!tpu.dma_semaphore, #tpu.memory_space<semaphore_mem>>
      %dma_start3A = arith.constant 0 : i32
      %dma_start3A_416 = arith.constant 0 : i32
      %dma_start3A_417 = tpu.memref_slice %arg10[%arg0, %arg1, %dma_start3A, %dma_start3A_416] : memref<2x16x5x16xf32, #tpu.memory_space<vmem_shared>> -> memref<1x1x5x16xf32, #tpu.memory_space<vmem_shared>>
      %dma_start3A_418 = tpu.memref_squeeze %dma_start3A_417 : memref<1x1x5x16xf32, #tpu.memory_space<vmem_shared>> -> memref<5x16xf32, #tpu.memory_space<vmem_shared>>
      %dma_start3A_419 = arith.constant 0 : i32
      %dma_start3A_420 = arith.constant 0 : i32
      %dma_start3A_421 = tpu.memref_slice %arg10[%arg0, %arg1, %dma_start3A_419, %dma_start3A_420] : memref<2x16x5x16xf32, #tpu.memory_space<vmem_shared>> -> memref<1x1x5x16xf32, #tpu.memory_space<vmem_shared>>
      %dma_start3A_422 = tpu.memref_squeeze %dma_start3A_421 : memref<1x1x5x16xf32, #tpu.memory_space<vmem_shared>> -> memref<5x16xf32, #tpu.memory_space<vmem_shared>>
      tpu.enqueue_dma source(%arg8 : memref<5x16xf32, #tpu.memory_space<vmem>>) target(%dma_start3A_422 : memref<5x16xf32, #tpu.memory_space<vmem_shared>>) target_semaphore(%run_scoped3A : memref<!tpu.dma_semaphore, #tpu.memory_space<semaphore_mem>>)
      %dma_wait3A = arith.constant 0 : i32
      %dma_wait3A_423 = arith.constant 0 : i32
      %dma_wait3A_424 = tpu.memref_slice %arg10[%arg0, %arg1, %dma_wait3A, %dma_wait3A_423] : memref<2x16x5x16xf32, #tpu.memory_space<vmem_shared>> -> memref<1x1x5x16xf32, #tpu.memory_space<vmem_shared>>
      %dma_wait3A_425 = tpu.memref_squeeze %dma_wait3A_424 : memref<1x1x5x16xf32, #tpu.memory_space<vmem_shared>> -> memref<5x16xf32, #tpu.memory_space<vmem_shared>>
      %dma_wait3A_426 = arith.constant 0 : i32
      %dma_wait3A_427 = arith.constant 0 : i32
      %dma_wait3A_428 = tpu.memref_slice %arg10[%arg0, %arg1, %dma_wait3A_426, %dma_wait3A_427] : memref<2x16x5x16xf32, #tpu.memory_space<vmem_shared>> -> memref<1x1x5x16xf32, #tpu.memory_space<vmem_shared>>
      %dma_wait3A_429 = tpu.memref_squeeze %dma_wait3A_428 : memref<1x1x5x16xf32, #tpu.memory_space<vmem_shared>> -> memref<5x16xf32, #tpu.memory_space<vmem_shared>>
      tpu.wait_dma2 semaphore(%run_scoped3A : memref<!tpu.dma_semaphore, #tpu.memory_space<semaphore_mem>>) src(%arg8 : memref<5x16xf32, #tpu.memory_space<vmem>>) dst(%dma_wait3A_429 : memref<5x16xf32, #tpu.memory_space<vmem_shared>>)
      tpu.yield
    }) : () -> ()
    %barrier3A = arith.constant 0 : index
    tpu.barrier barrier_id(%barrier3A)
    %add3A_71 = arith.constant 1 : i32
    %add3A_72 = arith.addi %arg1, %add3A_71 : i32
    %jit3A_73 = arith.constant 2 : i32
    %eq3A_74 = arith.constant 0 : i32
    %eq3A_75 = arith.cmpi eq, %jit3A_73, %eq3A_74 : i32
    %jit3A_76 = arith.constant 1 : i32
    %select_n3A_77 = arith.select %eq3A_75, %jit3A_76, %jit3A_73 : i32
    %rem3A_78 = arith.remsi %arg1, %select_n3A_77 : i32
    %ne3A_79 = arith.constant 0 : i32
    %ne3A_80 = arith.cmpi ne, %rem3A_78, %ne3A_79 : i32
    %lt3A_81 = arith.constant 0 : i32
    %lt3A_82 = arith.cmpi slt, %rem3A_78, %lt3A_81 : i32
    %lt3A_83 = arith.constant 0 : i32
    %lt3A_84 = arith.cmpi slt, %select_n3A_77, %lt3A_83 : i32
    %ne3A_85 = arith.xori %lt3A_82, %lt3A_84 : i1
    %and3A_86 = arith.andi %ne3A_85, %ne3A_80 : i1
    %add3A_87 = arith.addi %rem3A_78, %select_n3A_77 : i32
    %select_n3A_88 = arith.select %and3A_86, %add3A_87, %rem3A_78 : i32
    %mul3A_89 = arith.constant 2 : i32
    %mul3A_90 = arith.muli %mul3A_89, %select_n3A_88 : i32
    %sub3A_91 = arith.subi %add3A_72, %mul3A_90 : i32
    "tpu.region"() ({
      %run_scoped3A = tpu.sem_alloc : memref<!tpu.dma_semaphore, #tpu.memory_space<semaphore_mem>>
      %dma_start3A = arith.constant 0 : i32
      %dma_start3A_416 = arith.constant 0 : i32
      %dma_start3A_417 = tpu.memref_slice %arg10[%arg0, %sub3A_91, %dma_start3A, %dma_start3A_416] : memref<2x16x5x16xf32, #tpu.memory_space<vmem_shared>> -> memref<1x1x5x16xf32, #tpu.memory_space<vmem_shared>>
      %dma_start3A_418 = tpu.memref_squeeze %dma_start3A_417 : memref<1x1x5x16xf32, #tpu.memory_space<vmem_shared>> -> memref<5x16xf32, #tpu.memory_space<vmem_shared>>
      %dma_start3A_419 = arith.constant 0 : i32
      %dma_start3A_420 = arith.constant 0 : i32
      %dma_start3A_421 = tpu.memref_slice %arg10[%arg0, %sub3A_91, %dma_start3A_419, %dma_start3A_420] : memref<2x16x5x16xf32, #tpu.memory_space<vmem_shared>> -> memref<1x1x5x16xf32, #tpu.memory_space<vmem_shared>>
      %dma_start3A_422 = tpu.memref_squeeze %dma_start3A_421 : memref<1x1x5x16xf32, #tpu.memory_space<vmem_shared>> -> memref<5x16xf32, #tpu.memory_space<vmem_shared>>
      tpu.enqueue_dma source(%dma_start3A_422 : memref<5x16xf32, #tpu.memory_space<vmem_shared>>) target(%arg9 : memref<5x16xf32, #tpu.memory_space<vmem>>) target_semaphore(%run_scoped3A : memref<!tpu.dma_semaphore, #tpu.memory_space<semaphore_mem>>)
      %dma_wait3A = arith.constant 0 : i32
      %dma_wait3A_423 = arith.constant 0 : i32
      %dma_wait3A_424 = tpu.memref_slice %arg10[%arg0, %sub3A_91, %dma_wait3A, %dma_wait3A_423] : memref<2x16x5x16xf32, #tpu.memory_space<vmem_shared>> -> memref<1x1x5x16xf32, #tpu.memory_space<vmem_shared>>
      %dma_wait3A_425 = tpu.memref_squeeze %dma_wait3A_424 : memref<1x1x5x16xf32, #tpu.memory_space<vmem_shared>> -> memref<5x16xf32, #tpu.memory_space<vmem_shared>>
      %dma_wait3A_426 = arith.constant 0 : i32
      %dma_wait3A_427 = arith.constant 0 : i32
      %dma_wait3A_428 = tpu.memref_slice %arg10[%arg0, %sub3A_91, %dma_wait3A_426, %dma_wait3A_427] : memref<2x16x5x16xf32, #tpu.memory_space<vmem_shared>> -> memref<1x1x5x16xf32, #tpu.memory_space<vmem_shared>>
      %dma_wait3A_429 = tpu.memref_squeeze %dma_wait3A_428 : memref<1x1x5x16xf32, #tpu.memory_space<vmem_shared>> -> memref<5x16xf32, #tpu.memory_space<vmem_shared>>
      tpu.wait_dma2 semaphore(%run_scoped3A : memref<!tpu.dma_semaphore, #tpu.memory_space<semaphore_mem>>) src(%dma_wait3A_429 : memref<5x16xf32, #tpu.memory_space<vmem_shared>>) dst(%arg9 : memref<5x16xf32, #tpu.memory_space<vmem>>)
      tpu.yield
    }) : () -> ()
    %get3A = arith.constant 0 : i32
    %get3A_92 = arith.index_cast %get3A : i32 to index
    %get3A_93 = arith.constant 0 : index
    %get3A_94 = tpu.vector_load %arg8[%get3A_92, %get3A_93] {strides = array<i32>} : memref<5x16xf32, #tpu.memory_space<vmem>>, vector<1x16xf32>,
    %get3A_95 = vector.shape_cast %get3A_94 : vector<1x16xf32> to vector<16xf32>
    %get3A_96 = arith.constant 0 : i32
    %get3A_97 = arith.index_cast %get3A_96 : i32 to index
    %get3A_98 = arith.constant 0 : index
    %get3A_99 = tpu.vector_load %arg9[%get3A_97, %get3A_98] {strides = array<i32>} : memref<5x16xf32, #tpu.memory_space<vmem>>, vector<1x16xf32>,
    %get3A_100 = vector.shape_cast %get3A_99 : vector<1x16xf32> to vector<16xf32>
    %add3A_101 = arith.addf %get3A_95, %get3A_100 : vector<16xf32>
    %slice3A = vector.extract_strided_slice %add3A_101 {offsets = [0], sizes = [1], strides = [1]} : vector<16xf32> to vector<1xf32>
    %squeeze3A = vector.extract %slice3A[0] : f32 from vector<1xf32>
    %slice3A_102 = vector.extract_strided_slice %add3A_101 {offsets = [1], sizes = [1], strides = [1]} : vector<16xf32> to vector<1xf32>
    %squeeze3A_103 = vector.extract %slice3A_102[0] : f32 from vector<1xf32>
    %add3A_104 = arith.addf %squeeze3A, %squeeze3A_103 : f32
    %slice3A_105 = vector.extract_strided_slice %add3A_101 {offsets = [2], sizes = [1], strides = [1]} : vector<16xf32> to vector<1xf32>
    %squeeze3A_106 = vector.extract %slice3A_105[0] : f32 from vector<1xf32>
    %add3A_107 = arith.addf %add3A_104, %squeeze3A_106 : f32
    %slice3A_108 = vector.extract_strided_slice %add3A_101 {offsets = [3], sizes = [1], strides = [1]} : vector<16xf32> to vector<1xf32>
    %squeeze3A_109 = vector.extract %slice3A_108[0] : f32 from vector<1xf32>
    %add3A_110 = arith.addf %add3A_107, %squeeze3A_109 : f32
    %slice3A_111 = vector.extract_strided_slice %add3A_101 {offsets = [4], sizes = [1], strides = [1]} : vector<16xf32> to vector<1xf32>
    %squeeze3A_112 = vector.extract %slice3A_111[0] : f32 from vector<1xf32>
    %add3A_113 = arith.addf %add3A_110, %squeeze3A_112 : f32
    %slice3A_114 = vector.extract_strided_slice %add3A_101 {offsets = [5], sizes = [1], strides = [1]} : vector<16xf32> to vector<1xf32>
    %squeeze3A_115 = vector.extract %slice3A_114[0] : f32 from vector<1xf32>
    %add3A_116 = arith.addf %add3A_113, %squeeze3A_115 : f32
    %slice3A_117 = vector.extract_strided_slice %add3A_101 {offsets = [6], sizes = [1], strides = [1]} : vector<16xf32> to vector<1xf32>
    %squeeze3A_118 = vector.extract %slice3A_117[0] : f32 from vector<1xf32>
    %add3A_119 = arith.addf %add3A_116, %squeeze3A_118 : f32
    %slice3A_120 = vector.extract_strided_slice %add3A_101 {offsets = [7], sizes = [1], strides = [1]} : vector<16xf32> to vector<1xf32>
    %squeeze3A_121 = vector.extract %slice3A_120[0] : f32 from vector<1xf32>
    %add3A_122 = arith.addf %add3A_119, %squeeze3A_121 : f32
    %slice3A_123 = vector.extract_strided_slice %add3A_101 {offsets = [8], sizes = [1], strides = [1]} : vector<16xf32> to vector<1xf32>
    %squeeze3A_124 = vector.extract %slice3A_123[0] : f32 from vector<1xf32>
    %add3A_125 = arith.addf %add3A_122, %squeeze3A_124 : f32
    %slice3A_126 = vector.extract_strided_slice %add3A_101 {offsets = [9], sizes = [1], strides = [1]} : vector<16xf32> to vector<1xf32>
    %squeeze3A_127 = vector.extract %slice3A_126[0] : f32 from vector<1xf32>
    %add3A_128 = arith.addf %add3A_125, %squeeze3A_127 : f32
    %slice3A_129 = vector.extract_strided_slice %add3A_101 {offsets = [10], sizes = [1], strides = [1]} : vector<16xf32> to vector<1xf32>
    %squeeze3A_130 = vector.extract %slice3A_129[0] : f32 from vector<1xf32>
    %add3A_131 = arith.addf %add3A_128, %squeeze3A_130 : f32
    %slice3A_132 = vector.extract_strided_slice %add3A_101 {offsets = [11], sizes = [1], strides = [1]} : vector<16xf32> to vector<1xf32>
    %squeeze3A_133 = vector.extract %slice3A_132[0] : f32 from vector<1xf32>
    %add3A_134 = arith.addf %add3A_131, %squeeze3A_133 : f32
    %slice3A_135 = vector.extract_strided_slice %add3A_101 {offsets = [12], sizes = [1], strides = [1]} : vector<16xf32> to vector<1xf32>
    %squeeze3A_136 = vector.extract %slice3A_135[0] : f32 from vector<1xf32>
    %add3A_137 = arith.addf %add3A_134, %squeeze3A_136 : f32
    %slice3A_138 = vector.extract_strided_slice %add3A_101 {offsets = [13], sizes = [1], strides = [1]} : vector<16xf32> to vector<1xf32>
    %squeeze3A_139 = vector.extract %slice3A_138[0] : f32 from vector<1xf32>
    %add3A_140 = arith.addf %add3A_137, %squeeze3A_139 : f32
    %slice3A_141 = vector.extract_strided_slice %add3A_101 {offsets = [14], sizes = [1], strides = [1]} : vector<16xf32> to vector<1xf32>
    %squeeze3A_142 = vector.extract %slice3A_141[0] : f32 from vector<1xf32>
    %add3A_143 = arith.addf %add3A_140, %squeeze3A_142 : f32
    %slice3A_144 = vector.extract_strided_slice %add3A_101 {offsets = [15], sizes = [1], strides = [1]} : vector<16xf32> to vector<1xf32>
    %squeeze3A_145 = vector.extract %slice3A_144[0] : f32 from vector<1xf32>
    %add3A_146 = arith.addf %add3A_143, %squeeze3A_145 : f32
    %broadcast_in_dim3A_147 = vector.broadcast %add3A_146 : f32 to vector<16xf32>
    %get3A_148 = arith.constant 1 : i32
    %get3A_149 = arith.index_cast %get3A_148 : i32 to index
    %get3A_150 = arith.constant 0 : index
    %get3A_151 = tpu.vector_load %arg8[%get3A_149, %get3A_150] {strides = array<i32>} : memref<5x16xf32, #tpu.memory_space<vmem>>, vector<1x16xf32>,
    %get3A_152 = vector.shape_cast %get3A_151 : vector<1x16xf32> to vector<16xf32>
    %get3A_153 = arith.constant 1 : i32
    %get3A_154 = arith.index_cast %get3A_153 : i32 to index
    %get3A_155 = arith.constant 0 : index
    %get3A_156 = tpu.vector_load %arg9[%get3A_154, %get3A_155] {strides = array<i32>} : memref<5x16xf32, #tpu.memory_space<vmem>>, vector<1x16xf32>,
    %get3A_157 = vector.shape_cast %get3A_156 : vector<1x16xf32> to vector<16xf32>
    %add3A_158 = arith.addf %get3A_152, %get3A_157 : vector<16xf32>
    %slice3A_159 = vector.extract_strided_slice %add3A_158 {offsets = [0], sizes = [1], strides = [1]} : vector<16xf32> to vector<1xf32>
    %squeeze3A_160 = vector.extract %slice3A_159[0] : f32 from vector<1xf32>
    %slice3A_161 = vector.extract_strided_slice %add3A_158 {offsets = [1], sizes = [1], strides = [1]} : vector<16xf32> to vector<1xf32>
    %squeeze3A_162 = vector.extract %slice3A_161[0] : f32 from vector<1xf32>
    %add3A_163 = arith.addf %squeeze3A_160, %squeeze3A_162 : f32
    %slice3A_164 = vector.extract_strided_slice %add3A_158 {offsets = [2], sizes = [1], strides = [1]} : vector<16xf32> to vector<1xf32>
    %squeeze3A_165 = vector.extract %slice3A_164[0] : f32 from vector<1xf32>
    %add3A_166 = arith.addf %add3A_163, %squeeze3A_165 : f32
    %slice3A_167 = vector.extract_strided_slice %add3A_158 {offsets = [3], sizes = [1], strides = [1]} : vector<16xf32> to vector<1xf32>
    %squeeze3A_168 = vector.extract %slice3A_167[0] : f32 from vector<1xf32>
    %add3A_169 = arith.addf %add3A_166, %squeeze3A_168 : f32
    %slice3A_170 = vector.extract_strided_slice %add3A_158 {offsets = [4], sizes = [1], strides = [1]} : vector<16xf32> to vector<1xf32>
    %squeeze3A_171 = vector.extract %slice3A_170[0] : f32 from vector<1xf32>
    %add3A_172 = arith.addf %add3A_169, %squeeze3A_171 : f32
    %slice3A_173 = vector.extract_strided_slice %add3A_158 {offsets = [5], sizes = [1], strides = [1]} : vector<16xf32> to vector<1xf32>
    %squeeze3A_174 = vector.extract %slice3A_173[0] : f32 from vector<1xf32>
    %add3A_175 = arith.addf %add3A_172, %squeeze3A_174 : f32
    %slice3A_176 = vector.extract_strided_slice %add3A_158 {offsets = [6], sizes = [1], strides = [1]} : vector<16xf32> to vector<1xf32>
    %squeeze3A_177 = vector.extract %slice3A_176[0] : f32 from vector<1xf32>
    %add3A_178 = arith.addf %add3A_175, %squeeze3A_177 : f32
    %slice3A_179 = vector.extract_strided_slice %add3A_158 {offsets = [7], sizes = [1], strides = [1]} : vector<16xf32> to vector<1xf32>
    %squeeze3A_180 = vector.extract %slice3A_179[0] : f32 from vector<1xf32>
    %add3A_181 = arith.addf %add3A_178, %squeeze3A_180 : f32
    %slice3A_182 = vector.extract_strided_slice %add3A_158 {offsets = [8], sizes = [1], strides = [1]} : vector<16xf32> to vector<1xf32>
    %squeeze3A_183 = vector.extract %slice3A_182[0] : f32 from vector<1xf32>
    %add3A_184 = arith.addf %add3A_181, %squeeze3A_183 : f32
    %slice3A_185 = vector.extract_strided_slice %add3A_158 {offsets = [9], sizes = [1], strides = [1]} : vector<16xf32> to vector<1xf32>
    %squeeze3A_186 = vector.extract %slice3A_185[0] : f32 from vector<1xf32>
    %add3A_187 = arith.addf %add3A_184, %squeeze3A_186 : f32
    %slice3A_188 = vector.extract_strided_slice %add3A_158 {offsets = [10], sizes = [1], strides = [1]} : vector<16xf32> to vector<1xf32>
    %squeeze3A_189 = vector.extract %slice3A_188[0] : f32 from vector<1xf32>
    %add3A_190 = arith.addf %add3A_187, %squeeze3A_189 : f32
    %slice3A_191 = vector.extract_strided_slice %add3A_158 {offsets = [11], sizes = [1], strides = [1]} : vector<16xf32> to vector<1xf32>
    %squeeze3A_192 = vector.extract %slice3A_191[0] : f32 from vector<1xf32>
    %add3A_193 = arith.addf %add3A_190, %squeeze3A_192 : f32
    %slice3A_194 = vector.extract_strided_slice %add3A_158 {offsets = [12], sizes = [1], strides = [1]} : vector<16xf32> to vector<1xf32>
    %squeeze3A_195 = vector.extract %slice3A_194[0] : f32 from vector<1xf32>
    %add3A_196 = arith.addf %add3A_193, %squeeze3A_195 : f32
    %slice3A_197 = vector.extract_strided_slice %add3A_158 {offsets = [13], sizes = [1], strides = [1]} : vector<16xf32> to vector<1xf32>
    %squeeze3A_198 = vector.extract %slice3A_197[0] : f32 from vector<1xf32>
    %add3A_199 = arith.addf %add3A_196, %squeeze3A_198 : f32
    %slice3A_200 = vector.extract_strided_slice %add3A_158 {offsets = [14], sizes = [1], strides = [1]} : vector<16xf32> to vector<1xf32>
    %squeeze3A_201 = vector.extract %slice3A_200[0] : f32 from vector<1xf32>
    %add3A_202 = arith.addf %add3A_199, %squeeze3A_201 : f32
    %slice3A_203 = vector.extract_strided_slice %add3A_158 {offsets = [15], sizes = [1], strides = [1]} : vector<16xf32> to vector<1xf32>
    %squeeze3A_204 = vector.extract %slice3A_203[0] : f32 from vector<1xf32>
    %add3A_205 = arith.addf %add3A_202, %squeeze3A_204 : f32
    %broadcast_in_dim3A_206 = vector.broadcast %add3A_205 : f32 to vector<16xf32>
    %get3A_207 = arith.constant 2 : i32
    %get3A_208 = arith.index_cast %get3A_207 : i32 to index
    %get3A_209 = arith.constant 0 : index
    %get3A_210 = tpu.vector_load %arg8[%get3A_208, %get3A_209] {strides = array<i32>} : memref<5x16xf32, #tpu.memory_space<vmem>>, vector<1x16xf32>,
    %get3A_211 = vector.shape_cast %get3A_210 : vector<1x16xf32> to vector<16xf32>
    %get3A_212 = arith.constant 2 : i32
    %get3A_213 = arith.index_cast %get3A_212 : i32 to index
    %get3A_214 = arith.constant 0 : index
    %get3A_215 = tpu.vector_load %arg9[%get3A_213, %get3A_214] {strides = array<i32>} : memref<5x16xf32, #tpu.memory_space<vmem>>, vector<1x16xf32>,
    %get3A_216 = vector.shape_cast %get3A_215 : vector<1x16xf32> to vector<16xf32>
    %add3A_217 = arith.addf %get3A_211, %get3A_216 : vector<16xf32>
    %slice3A_218 = vector.extract_strided_slice %add3A_217 {offsets = [0], sizes = [1], strides = [1]} : vector<16xf32> to vector<1xf32>
    %squeeze3A_219 = vector.extract %slice3A_218[0] : f32 from vector<1xf32>
    %slice3A_220 = vector.extract_strided_slice %add3A_217 {offsets = [1], sizes = [1], strides = [1]} : vector<16xf32> to vector<1xf32>
    %squeeze3A_221 = vector.extract %slice3A_220[0] : f32 from vector<1xf32>
    %add3A_222 = arith.addf %squeeze3A_219, %squeeze3A_221 : f32
    %slice3A_223 = vector.extract_strided_slice %add3A_217 {offsets = [2], sizes = [1], strides = [1]} : vector<16xf32> to vector<1xf32>
    %squeeze3A_224 = vector.extract %slice3A_223[0] : f32 from vector<1xf32>
    %add3A_225 = arith.addf %add3A_222, %squeeze3A_224 : f32
    %slice3A_226 = vector.extract_strided_slice %add3A_217 {offsets = [3], sizes = [1], strides = [1]} : vector<16xf32> to vector<1xf32>
    %squeeze3A_227 = vector.extract %slice3A_226[0] : f32 from vector<1xf32>
    %add3A_228 = arith.addf %add3A_225, %squeeze3A_227 : f32
    %slice3A_229 = vector.extract_strided_slice %add3A_217 {offsets = [4], sizes = [1], strides = [1]} : vector<16xf32> to vector<1xf32>
    %squeeze3A_230 = vector.extract %slice3A_229[0] : f32 from vector<1xf32>
    %add3A_231 = arith.addf %add3A_228, %squeeze3A_230 : f32
    %slice3A_232 = vector.extract_strided_slice %add3A_217 {offsets = [5], sizes = [1], strides = [1]} : vector<16xf32> to vector<1xf32>
    %squeeze3A_233 = vector.extract %slice3A_232[0] : f32 from vector<1xf32>
    %add3A_234 = arith.addf %add3A_231, %squeeze3A_233 : f32
    %slice3A_235 = vector.extract_strided_slice %add3A_217 {offsets = [6], sizes = [1], strides = [1]} : vector<16xf32> to vector<1xf32>
    %squeeze3A_236 = vector.extract %slice3A_235[0] : f32 from vector<1xf32>
    %add3A_237 = arith.addf %add3A_234, %squeeze3A_236 : f32
    %slice3A_238 = vector.extract_strided_slice %add3A_217 {offsets = [7], sizes = [1], strides = [1]} : vector<16xf32> to vector<1xf32>
    %squeeze3A_239 = vector.extract %slice3A_238[0] : f32 from vector<1xf32>
    %add3A_240 = arith.addf %add3A_237, %squeeze3A_239 : f32
    %slice3A_241 = vector.extract_strided_slice %add3A_217 {offsets = [8], sizes = [1], strides = [1]} : vector<16xf32> to vector<1xf32>
    %squeeze3A_242 = vector.extract %slice3A_241[0] : f32 from vector<1xf32>
    %add3A_243 = arith.addf %add3A_240, %squeeze3A_242 : f32
    %slice3A_244 = vector.extract_strided_slice %add3A_217 {offsets = [9], sizes = [1], strides = [1]} : vector<16xf32> to vector<1xf32>
    %squeeze3A_245 = vector.extract %slice3A_244[0] : f32 from vector<1xf32>
    %add3A_246 = arith.addf %add3A_243, %squeeze3A_245 : f32
    %slice3A_247 = vector.extract_strided_slice %add3A_217 {offsets = [10], sizes = [1], strides = [1]} : vector<16xf32> to vector<1xf32>
    %squeeze3A_248 = vector.extract %slice3A_247[0] : f32 from vector<1xf32>
    %add3A_249 = arith.addf %add3A_246, %squeeze3A_248 : f32
    %slice3A_250 = vector.extract_strided_slice %add3A_217 {offsets = [11], sizes = [1], strides = [1]} : vector<16xf32> to vector<1xf32>
    %squeeze3A_251 = vector.extract %slice3A_250[0] : f32 from vector<1xf32>
    %add3A_252 = arith.addf %add3A_249, %squeeze3A_251 : f32
    %slice3A_253 = vector.extract_strided_slice %add3A_217 {offsets = [12], sizes = [1], strides = [1]} : vector<16xf32> to vector<1xf32>
    %squeeze3A_254 = vector.extract %slice3A_253[0] : f32 from vector<1xf32>
    %add3A_255 = arith.addf %add3A_252, %squeeze3A_254 : f32
    %slice3A_256 = vector.extract_strided_slice %add3A_217 {offsets = [13], sizes = [1], strides = [1]} : vector<16xf32> to vector<1xf32>
    %squeeze3A_257 = vector.extract %slice3A_256[0] : f32 from vector<1xf32>
    %add3A_258 = arith.addf %add3A_255, %squeeze3A_257 : f32
    %slice3A_259 = vector.extract_strided_slice %add3A_217 {offsets = [14], sizes = [1], strides = [1]} : vector<16xf32> to vector<1xf32>
    %squeeze3A_260 = vector.extract %slice3A_259[0] : f32 from vector<1xf32>
    %add3A_261 = arith.addf %add3A_258, %squeeze3A_260 : f32
    %slice3A_262 = vector.extract_strided_slice %add3A_217 {offsets = [15], sizes = [1], strides = [1]} : vector<16xf32> to vector<1xf32>
    %squeeze3A_263 = vector.extract %slice3A_262[0] : f32 from vector<1xf32>
    %add3A_264 = arith.addf %add3A_261, %squeeze3A_263 : f32
    %broadcast_in_dim3A_265 = vector.broadcast %add3A_264 : f32 to vector<16xf32>
    %get3A_266 = arith.constant 3 : i32
    %get3A_267 = arith.index_cast %get3A_266 : i32 to index
    %get3A_268 = arith.constant 0 : index
    %get3A_269 = tpu.vector_load %arg8[%get3A_267, %get3A_268] {strides = array<i32>} : memref<5x16xf32, #tpu.memory_space<vmem>>, vector<1x16xf32>,
    %get3A_270 = vector.shape_cast %get3A_269 : vector<1x16xf32> to vector<16xf32>
    %get3A_271 = arith.constant 3 : i32
    %get3A_272 = arith.index_cast %get3A_271 : i32 to index
    %get3A_273 = arith.constant 0 : index
    %get3A_274 = tpu.vector_load %arg9[%get3A_272, %get3A_273] {strides = array<i32>} : memref<5x16xf32, #tpu.memory_space<vmem>>, vector<1x16xf32>,
    %get3A_275 = vector.shape_cast %get3A_274 : vector<1x16xf32> to vector<16xf32>
    %add3A_276 = arith.addf %get3A_270, %get3A_275 : vector<16xf32>
    %slice3A_277 = vector.extract_strided_slice %add3A_276 {offsets = [0], sizes = [1], strides = [1]} : vector<16xf32> to vector<1xf32>
    %squeeze3A_278 = vector.extract %slice3A_277[0] : f32 from vector<1xf32>
    %slice3A_279 = vector.extract_strided_slice %add3A_276 {offsets = [1], sizes = [1], strides = [1]} : vector<16xf32> to vector<1xf32>
    %squeeze3A_280 = vector.extract %slice3A_279[0] : f32 from vector<1xf32>
    %add3A_281 = arith.addf %squeeze3A_278, %squeeze3A_280 : f32
    %slice3A_282 = vector.extract_strided_slice %add3A_276 {offsets = [2], sizes = [1], strides = [1]} : vector<16xf32> to vector<1xf32>
    %squeeze3A_283 = vector.extract %slice3A_282[0] : f32 from vector<1xf32>
    %add3A_284 = arith.addf %add3A_281, %squeeze3A_283 : f32
    %slice3A_285 = vector.extract_strided_slice %add3A_276 {offsets = [3], sizes = [1], strides = [1]} : vector<16xf32> to vector<1xf32>
    %squeeze3A_286 = vector.extract %slice3A_285[0] : f32 from vector<1xf32>
    %add3A_287 = arith.addf %add3A_284, %squeeze3A_286 : f32
    %slice3A_288 = vector.extract_strided_slice %add3A_276 {offsets = [4], sizes = [1], strides = [1]} : vector<16xf32> to vector<1xf32>
    %squeeze3A_289 = vector.extract %slice3A_288[0] : f32 from vector<1xf32>
    %add3A_290 = arith.addf %add3A_287, %squeeze3A_289 : f32
    %slice3A_291 = vector.extract_strided_slice %add3A_276 {offsets = [5], sizes = [1], strides = [1]} : vector<16xf32> to vector<1xf32>
    %squeeze3A_292 = vector.extract %slice3A_291[0] : f32 from vector<1xf32>
    %add3A_293 = arith.addf %add3A_290, %squeeze3A_292 : f32
    %slice3A_294 = vector.extract_strided_slice %add3A_276 {offsets = [6], sizes = [1], strides = [1]} : vector<16xf32> to vector<1xf32>
    %squeeze3A_295 = vector.extract %slice3A_294[0] : f32 from vector<1xf32>
    %add3A_296 = arith.addf %add3A_293, %squeeze3A_295 : f32
    %slice3A_297 = vector.extract_strided_slice %add3A_276 {offsets = [7], sizes = [1], strides = [1]} : vector<16xf32> to vector<1xf32>
    %squeeze3A_298 = vector.extract %slice3A_297[0] : f32 from vector<1xf32>
    %add3A_299 = arith.addf %add3A_296, %squeeze3A_298 : f32
    %slice3A_300 = vector.extract_strided_slice %add3A_276 {offsets = [8], sizes = [1], strides = [1]} : vector<16xf32> to vector<1xf32>
    %squeeze3A_301 = vector.extract %slice3A_300[0] : f32 from vector<1xf32>
    %add3A_302 = arith.addf %add3A_299, %squeeze3A_301 : f32
    %slice3A_303 = vector.extract_strided_slice %add3A_276 {offsets = [9], sizes = [1], strides = [1]} : vector<16xf32> to vector<1xf32>
    %squeeze3A_304 = vector.extract %slice3A_303[0] : f32 from vector<1xf32>
    %add3A_305 = arith.addf %add3A_302, %squeeze3A_304 : f32
    %slice3A_306 = vector.extract_strided_slice %add3A_276 {offsets = [10], sizes = [1], strides = [1]} : vector<16xf32> to vector<1xf32>
    %squeeze3A_307 = vector.extract %slice3A_306[0] : f32 from vector<1xf32>
    %add3A_308 = arith.addf %add3A_305, %squeeze3A_307 : f32
    %slice3A_309 = vector.extract_strided_slice %add3A_276 {offsets = [11], sizes = [1], strides = [1]} : vector<16xf32> to vector<1xf32>
    %squeeze3A_310 = vector.extract %slice3A_309[0] : f32 from vector<1xf32>
    %add3A_311 = arith.addf %add3A_308, %squeeze3A_310 : f32
    %slice3A_312 = vector.extract_strided_slice %add3A_276 {offsets = [12], sizes = [1], strides = [1]} : vector<16xf32> to vector<1xf32>
    %squeeze3A_313 = vector.extract %slice3A_312[0] : f32 from vector<1xf32>
    %add3A_314 = arith.addf %add3A_311, %squeeze3A_313 : f32
    %slice3A_315 = vector.extract_strided_slice %add3A_276 {offsets = [13], sizes = [1], strides = [1]} : vector<16xf32> to vector<1xf32>
    %squeeze3A_316 = vector.extract %slice3A_315[0] : f32 from vector<1xf32>
    %add3A_317 = arith.addf %add3A_314, %squeeze3A_316 : f32
    %slice3A_318 = vector.extract_strided_slice %add3A_276 {offsets = [14], sizes = [1], strides = [1]} : vector<16xf32> to vector<1xf32>
    %squeeze3A_319 = vector.extract %slice3A_318[0] : f32 from vector<1xf32>
    %add3A_320 = arith.addf %add3A_317, %squeeze3A_319 : f32
    %slice3A_321 = vector.extract_strided_slice %add3A_276 {offsets = [15], sizes = [1], strides = [1]} : vector<16xf32> to vector<1xf32>
    %squeeze3A_322 = vector.extract %slice3A_321[0] : f32 from vector<1xf32>
    %add3A_323 = arith.addf %add3A_320, %squeeze3A_322 : f32
    %broadcast_in_dim3A_324 = vector.broadcast %add3A_323 : f32 to vector<16xf32>
    %get3A_325 = arith.constant 4 : i32
    %get3A_326 = arith.index_cast %get3A_325 : i32 to index
    %get3A_327 = arith.constant 0 : index
    %get3A_328 = tpu.vector_load %arg8[%get3A_326, %get3A_327] {strides = array<i32>} : memref<5x16xf32, #tpu.memory_space<vmem>>, vector<1x16xf32>,
    %get3A_329 = vector.shape_cast %get3A_328 : vector<1x16xf32> to vector<16xf32>
    %get3A_330 = arith.constant 4 : i32
    %get3A_331 = arith.index_cast %get3A_330 : i32 to index
    %get3A_332 = arith.constant 0 : index
    %get3A_333 = tpu.vector_load %arg9[%get3A_331, %get3A_332] {strides = array<i32>} : memref<5x16xf32, #tpu.memory_space<vmem>>, vector<1x16xf32>,
    %get3A_334 = vector.shape_cast %get3A_333 : vector<1x16xf32> to vector<16xf32>
    %add3A_335 = arith.addf %get3A_329, %get3A_334 : vector<16xf32>
    %slice3A_336 = vector.extract_strided_slice %add3A_335 {offsets = [0], sizes = [1], strides = [1]} : vector<16xf32> to vector<1xf32>
    %squeeze3A_337 = vector.extract %slice3A_336[0] : f32 from vector<1xf32>
    %slice3A_338 = vector.extract_strided_slice %add3A_335 {offsets = [1], sizes = [1], strides = [1]} : vector<16xf32> to vector<1xf32>
    %squeeze3A_339 = vector.extract %slice3A_338[0] : f32 from vector<1xf32>
    %add3A_340 = arith.addf %squeeze3A_337, %squeeze3A_339 : f32
    %slice3A_341 = vector.extract_strided_slice %add3A_335 {offsets = [2], sizes = [1], strides = [1]} : vector<16xf32> to vector<1xf32>
    %squeeze3A_342 = vector.extract %slice3A_341[0] : f32 from vector<1xf32>
    %add3A_343 = arith.addf %add3A_340, %squeeze3A_342 : f32
    %slice3A_344 = vector.extract_strided_slice %add3A_335 {offsets = [3], sizes = [1], strides = [1]} : vector<16xf32> to vector<1xf32>
    %squeeze3A_345 = vector.extract %slice3A_344[0] : f32 from vector<1xf32>
    %add3A_346 = arith.addf %add3A_343, %squeeze3A_345 : f32
    %slice3A_347 = vector.extract_strided_slice %add3A_335 {offsets = [4], sizes = [1], strides = [1]} : vector<16xf32> to vector<1xf32>
    %squeeze3A_348 = vector.extract %slice3A_347[0] : f32 from vector<1xf32>
    %add3A_349 = arith.addf %add3A_346, %squeeze3A_348 : f32
    %slice3A_350 = vector.extract_strided_slice %add3A_335 {offsets = [5], sizes = [1], strides = [1]} : vector<16xf32> to vector<1xf32>
    %squeeze3A_351 = vector.extract %slice3A_350[0] : f32 from vector<1xf32>
    %add3A_352 = arith.addf %add3A_349, %squeeze3A_351 : f32
    %slice3A_353 = vector.extract_strided_slice %add3A_335 {offsets = [6], sizes = [1], strides = [1]} : vector<16xf32> to vector<1xf32>
    %squeeze3A_354 = vector.extract %slice3A_353[0] : f32 from vector<1xf32>
    %add3A_355 = arith.addf %add3A_352, %squeeze3A_354 : f32
    %slice3A_356 = vector.extract_strided_slice %add3A_335 {offsets = [7], sizes = [1], strides = [1]} : vector<16xf32> to vector<1xf32>
    %squeeze3A_357 = vector.extract %slice3A_356[0] : f32 from vector<1xf32>
    %add3A_358 = arith.addf %add3A_355, %squeeze3A_357 : f32
    %slice3A_359 = vector.extract_strided_slice %add3A_335 {offsets = [8], sizes = [1], strides = [1]} : vector<16xf32> to vector<1xf32>
    %squeeze3A_360 = vector.extract %slice3A_359[0] : f32 from vector<1xf32>
    %add3A_361 = arith.addf %add3A_358, %squeeze3A_360 : f32
    %slice3A_362 = vector.extract_strided_slice %add3A_335 {offsets = [9], sizes = [1], strides = [1]} : vector<16xf32> to vector<1xf32>
    %squeeze3A_363 = vector.extract %slice3A_362[0] : f32 from vector<1xf32>
    %add3A_364 = arith.addf %add3A_361, %squeeze3A_363 : f32
    %slice3A_365 = vector.extract_strided_slice %add3A_335 {offsets = [10], sizes = [1], strides = [1]} : vector<16xf32> to vector<1xf32>
    %squeeze3A_366 = vector.extract %slice3A_365[0] : f32 from vector<1xf32>
    %add3A_367 = arith.addf %add3A_364, %squeeze3A_366 : f32
    %slice3A_368 = vector.extract_strided_slice %add3A_335 {offsets = [11], sizes = [1], strides = [1]} : vector<16xf32> to vector<1xf32>
    %squeeze3A_369 = vector.extract %slice3A_368[0] : f32 from vector<1xf32>
    %add3A_370 = arith.addf %add3A_367, %squeeze3A_369 : f32
    %slice3A_371 = vector.extract_strided_slice %add3A_335 {offsets = [12], sizes = [1], strides = [1]} : vector<16xf32> to vector<1xf32>
    %squeeze3A_372 = vector.extract %slice3A_371[0] : f32 from vector<1xf32>
    %add3A_373 = arith.addf %add3A_370, %squeeze3A_372 : f32
    %slice3A_374 = vector.extract_strided_slice %add3A_335 {offsets = [13], sizes = [1], strides = [1]} : vector<16xf32> to vector<1xf32>
    %squeeze3A_375 = vector.extract %slice3A_374[0] : f32 from vector<1xf32>
    %add3A_376 = arith.addf %add3A_373, %squeeze3A_375 : f32
    %slice3A_377 = vector.extract_strided_slice %add3A_335 {offsets = [14], sizes = [1], strides = [1]} : vector<16xf32> to vector<1xf32>
    %squeeze3A_378 = vector.extract %slice3A_377[0] : f32 from vector<1xf32>
    %add3A_379 = arith.addf %add3A_376, %squeeze3A_378 : f32
    %slice3A_380 = vector.extract_strided_slice %add3A_335 {offsets = [15], sizes = [1], strides = [1]} : vector<16xf32> to vector<1xf32>
    %squeeze3A_381 = vector.extract %slice3A_380[0] : f32 from vector<1xf32>
    %add3A_382 = arith.addf %add3A_379, %squeeze3A_381 : f32
    %broadcast_in_dim3A_383 = vector.broadcast %add3A_382 : f32 to vector<16xf32>
    %mul3A_384 = arith.mulf %broadcast_in_dim3A_147, %broadcast_in_dim3A_265 : vector<16xf32>
    %mul3A_385 = arith.mulf %broadcast_in_dim3A_206, %broadcast_in_dim3A_206 : vector<16xf32>
    %sub3A_386 = arith.subf %mul3A_384, %mul3A_385 : vector<16xf32>
    %ge3A = arith.constant 1.000000e+01 : f32
    %ge3A_387 = vector.broadcast %ge3A : f32 to vector<16xf32>
    %ge3A_388 = arith.cmpf oge, %broadcast_in_dim3A_147, %ge3A_387 : vector<16xf32>
    %abs3A = math.absf %sub3A_386 : vector<16xf32>
    %ge3A_389 = arith.constant 9.99999993E-9 : f32
    %ge3A_390 = vector.broadcast %ge3A_389 : f32 to vector<16xf32>
    %ge3A_391 = arith.cmpf oge, %abs3A, %ge3A_390 : vector<16xf32>
    %and3A_392 = arith.andi %ge3A_388, %ge3A_391 : vector<16xi1>
    %jit3A_393 = arith.constant 1.000000e+00 : f32
    %broadcast_in_dim3A_394 = vector.broadcast %jit3A_393 : f32 to vector<16xf32>
    %select_n3A_395 = arith.select %and3A_392, %sub3A_386, %broadcast_in_dim3A_394 : vector<16xi1>, vector<16xf32>
    %mul3A_396 = arith.mulf %broadcast_in_dim3A_147, %broadcast_in_dim3A_383 : vector<16xf32>
    %mul3A_397 = arith.mulf %broadcast_in_dim3A_206, %broadcast_in_dim3A_324 : vector<16xf32>
    %sub3A_398 = arith.subf %mul3A_396, %mul3A_397 : vector<16xf32>
    %div3A_399 = arith.divf %sub3A_398, %select_n3A_395 : vector<16xf32>
    %jit3A_400 = arith.constant 1.000000e+00 : f32
    %broadcast_in_dim3A_401 = vector.broadcast %jit3A_400 : f32 to vector<16xf32>
    %select_n3A_402 = arith.select %and3A_392, %div3A_399, %broadcast_in_dim3A_401 : vector<16xi1>, vector<16xf32>
    %mul3A_403 = arith.mulf %broadcast_in_dim3A_265, %broadcast_in_dim3A_324 : vector<16xf32>
    %mul3A_404 = arith.mulf %broadcast_in_dim3A_206, %broadcast_in_dim3A_383 : vector<16xf32>
    %sub3A_405 = arith.subf %mul3A_403, %mul3A_404 : vector<16xf32>
    %div3A_406 = arith.divf %sub3A_405, %select_n3A_395 : vector<16xf32>
    %jit3A_407 = arith.constant 0.000000e+00 : f32
    %broadcast_in_dim3A_408 = vector.broadcast %jit3A_407 : f32 to vector<16xf32>
    %select_n3A_409 = arith.select %and3A_392, %div3A_406, %broadcast_in_dim3A_408 : vector<16xi1>, vector<16xf32>
    %scan3A_410 = arith.constant 0 : i32
    %scan3A_411 = arith.constant 0 : i32
    %scan3A_412 = arith.constant 4 : i32
    %scan3A_413 = arith.addi %scan3A_411, %scan3A_412 : i32
    %scan3A_414 = arith.constant 1 : i32
    scf.for %scan3A_416 = %scan3A_411 to %scan3A_413 step %scan3A_414  : i32 {
      %mul3A_417 = arith.constant 32768 : i32
      %mul3A_418 = arith.muli %scan3A_416, %mul3A_417 : i32
      %add3A_419 = arith.addi %add3A_35, %mul3A_418 : i32
      "tpu.region"() ({
        %run_scoped3A = tpu.sem_alloc : memref<!tpu.dma_semaphore, #tpu.memory_space<semaphore_mem>>
        %dma_start3A = tpu.memref_slice %arg2[%add3A_419] : memref<4194304xf32, #tpu.memory_space<hbm>> -> memref<32768xf32, #tpu.memory_space<hbm>>
        %dma_start3A_429 = tpu.memref_slice %arg2[%add3A_419] : memref<4194304xf32, #tpu.memory_space<hbm>> -> memref<32768xf32, #tpu.memory_space<hbm>>
        tpu.enqueue_dma source(%dma_start3A_429 : memref<32768xf32, #tpu.memory_space<hbm>>) target(%arg5 : memref<32768xf32, #tpu.memory_space<vmem>>) target_semaphore(%run_scoped3A : memref<!tpu.dma_semaphore, #tpu.memory_space<semaphore_mem>>)
        %dma_wait3A = tpu.memref_slice %arg2[%add3A_419] : memref<4194304xf32, #tpu.memory_space<hbm>> -> memref<32768xf32, #tpu.memory_space<hbm>>
        %dma_wait3A_430 = tpu.memref_slice %arg2[%add3A_419] : memref<4194304xf32, #tpu.memory_space<hbm>> -> memref<32768xf32, #tpu.memory_space<hbm>>
        tpu.wait_dma2 semaphore(%run_scoped3A : memref<!tpu.dma_semaphore, #tpu.memory_space<semaphore_mem>>) src(%dma_wait3A_430 : memref<32768xf32, #tpu.memory_space<hbm>>) dst(%arg5 : memref<32768xf32, #tpu.memory_space<vmem>>)
        tpu.yield
      }) : () -> ()
      %scan3A_420 = arith.constant 0 : i32
      %scan3A_421 = arith.constant 0 : i32
      %scan3A_422 = arith.constant 2048 : i32
      %scan3A_423 = arith.addi %scan3A_421, %scan3A_422 : i32
      %scan3A_424 = arith.constant 1 : i32
      scf.for %scan3A_429 = %scan3A_421 to %scan3A_423 step %scan3A_424  : i32 {
        %mul3A_430 = arith.constant 16 : i32
        %mul3A_431 = arith.muli %scan3A_429, %mul3A_430 : i32
        %get3A_432 = arith.index_cast %mul3A_431 : i32 to index
        %get3A_433 = tpu.vector_load %arg5[%get3A_432] {strides = array<i32>} : memref<32768xf32, #tpu.memory_space<vmem>>, vector<16xf32>,
        %get3A_434 = vector.shape_cast %get3A_433 : vector<16xf32> to vector<16xf32>
        %mul3A_435 = arith.mulf %select_n3A_402, %get3A_434 : vector<16xf32>
        %add3A_436 = arith.addf %mul3A_435, %select_n3A_409 : vector<16xf32>
        %mul3A_437 = arith.constant 16 : i32
        %mul3A_438 = arith.muli %scan3A_429, %mul3A_437 : i32
        %swap3A_439 = arith.index_cast %mul3A_438 : i32 to index
        %swap3A_440 = tpu.vector_load %arg7[%swap3A_439] {strides = array<i32>} : memref<32768xf32, #tpu.memory_space<vmem>>, vector<16xf32>,
        %swap3A_441 = vector.shape_cast %swap3A_440 : vector<16xf32> to vector<16xf32>
        %swap3A_442 = vector.shape_cast %add3A_436 : vector<16xf32> to vector<16xf32>
        tpu.vector_store %arg7[%swap3A_439], %swap3A_442 {strides = array<i32>} : memref<32768xf32, #tpu.memory_space<vmem>>, vector<16xf32>,
      }
      %scan3A_425 = arith.constant 2048 : i32
      %mul3A_426 = arith.constant 32768 : i32
      %mul3A_427 = arith.muli %scan3A_416, %mul3A_426 : i32
      %add3A_428 = arith.addi %add3A_35, %mul3A_427 : i32
      "tpu.region"() ({
        %run_scoped3A = tpu.sem_alloc : memref<!tpu.dma_semaphore, #tpu.memory_space<semaphore_mem>>
        %dma_start3A = tpu.memref_slice %arg4[%add3A_428] : memref<4194304xf32, #tpu.memory_space<hbm>> -> memref<32768xf32, #tpu.memory_space<hbm>>
        %dma_start3A_429 = tpu.memref_slice %arg4[%add3A_428] : memref<4194304xf32, #tpu.memory_space<hbm>> -> memref<32768xf32, #tpu.memory_space<hbm>>
        tpu.enqueue_dma source(%arg7 : memref<32768xf32, #tpu.memory_space<vmem>>) target(%dma_start3A_429 : memref<32768xf32, #tpu.memory_space<hbm>>) target_semaphore(%run_scoped3A : memref<!tpu.dma_semaphore, #tpu.memory_space<semaphore_mem>>)
        %dma_wait3A = tpu.memref_slice %arg4[%add3A_428] : memref<4194304xf32, #tpu.memory_space<hbm>> -> memref<32768xf32, #tpu.memory_space<hbm>>
        %dma_wait3A_430 = tpu.memref_slice %arg4[%add3A_428] : memref<4194304xf32, #tpu.memory_space<hbm>> -> memref<32768xf32, #tpu.memory_space<hbm>>
        tpu.wait_dma2 semaphore(%run_scoped3A : memref<!tpu.dma_semaphore, #tpu.memory_space<semaphore_mem>>) src(%arg7 : memref<32768xf32, #tpu.memory_space<vmem>>) dst(%dma_wait3A_430 : memref<32768xf32, #tpu.memory_space<hbm>>)
        tpu.yield
      }) : () -> ()
    }
    %scan3A_415 = arith.constant 4 : i32
    return
  }
}

</mosaic_0001>

<sc_bundles>
// kernel: kernel.3.cloned.1.call-start
scs
__scs_entry_jumppad:
0x0: {  	(pc) =	sbr.rel $0x88, $3  }
0x1: {  	(tag) =	ssettag $0x0;
	lr =	simm.s32 $0x1  }
0x2: {  	[smem:$0x3F9F] =	sst lr;
	_ =	strace $0xD0000000  }
0x3: {  	_ = 	snop  }
0x4: {  	_ = 	snop  }
0x5: {  	_ = 	snop  }
0x6: {  	_ = 	snop  }
0x7: {  	_ = 	snop  }
__scs_overlays_trampoline_lowered:
0x8: {  	[smem:$0x3FAE] =	sst s0  }
0x9: {  	[smem:$0x3FAF] =	sst s1  }
0xa: {  	[smem:$0x3FB0] =	sst s2  }
0xb: {  	[smem:$0x3FB1] =	sst s3  }
0xc: {  	[smem:$0x3FB2] =	sst s4  }
0xd: {  	[smem:$0x3FB3] =	sst s5  }
0xe: {  	[smem:$0x3FB4] =	sst s6  }
0xf: {  	[smem:$0x3FB5] =	sst s7  }
0x10: {  	[smem:$0x3FB6] =	sst s8  }
0x11: {  	[smem:$0x3FB7] =	sst s9;
	s0 =	simm.s32 @!p0 $0x0  }
0x12: {  	s1 =	sld [smem:$0x3F9D];
	s0 =	simm.s32 @p0 $0x1  }
0x13: {  	[smem:$0x3FB8] =	sst s0;
	s0 =	simm.s32 @!p1 $0x0  }
0x14: {  	s2 =	sld [smem:$0x3F9C];
	s0 =	simm.s32 @p1 $0x1  }
0x15: {  	[smem:$0x3FB9] =	sst s0;
	s0 =	simm.s32 @!p2 $0x0  }
0x16: {  	s3 =	sld [smem:$0x3FDB];
	s0 =	simm.s32 @p2 $0x1  }
0x17: {  	s4 =	simm.s32 $0x1BF5;
	[smem:$0x3FBB] =	sst s0  }
0x18: {  	s0 =	sld [smem:$0x3F9E];
	_ =	swait.ge [sflag:s4], $0x0  }
0x19: {  	s7 =	sld [smem:$0x3F9F]  }
0x1a: {  	s8 =	sadd.s32 $0xFFFFE003, lr  }
0x1b: {  	s9 =	sadd.s32 $0xFFFFFEF7, lr;
	s5 =	simm.s32 $0xFFFFFFFF;
	p2 =	slt.u32 s8, $0xFFFFF086  }
0x1c: {  	p1 =	slt.u32 s9, $0xF7A;
	s5 =	simm.s32 @!p2 $0x0  }
0x1d: {  	s5 =	simm.s32 @p1 $0x1;
	p0 =	seq.s32 s7, s2  }
0x1e: {  	s7 =	smul.u32 @!p0 $0xF7A, s2;
	p2 =	seq.s32 @!p0 s5, $0x0  }
0x1f: {  	s9 =	smul.u32 $0xF7A, s1;
	s8 =	simm.s32 @!p0 $0x1BF5;
	p2 =	por !p2, p0  }
0x20: {  	[sflag:s8] =	ssyncset.s32 @!p0 $0xFFFFF086;
	s6 =	sadd.s32 @!p0 s3, s7;
	s7 =	simm.s32 @!p0 $0x108  }
0x21: {  	s3 =	sadd.s32 s3, s9;
	s6 =	sadd.s32 @!p0 $0x88, s6;
	s7 =	simm.s32 @p2 $0x1082  }
0x22: {  	[simem:s7], [sflag:s8] =	dma.local @!p0 [hbm:s6], $0xF7A  }
0x23: {  	s9 =	sor.u32 $0xD0000000, s2;
	s6 =	simm.s32 $0x108;
	_ =	swait.ge @!p0 [sflag:s8], $0x0  }
0x24: {  	s3 =	sadd.s32 $0x88, s3;
	s6 =	simm.s32 @!p1 $0x1082;
	[sflag:s4] =	ssyncset.s32 $0xFFFFF086  }
0x25: {  	[simem:s6], [sflag:s4] =	dma.local [hbm:s3], $0xF7A  }
0x26: {  	[smem:$0x3F9F] =	sst s1;
	(tag) =	ssettag s2;
	_ =	strace s9  }
0x27: {  	s1 =	sld [smem:$0x3FAF]  }
0x28: {  	s2 =	sld [smem:$0x3FB0]  }
0x29: {  	s4 =	sld [smem:$0x3FB2]  }
0x2a: {  	p0 =	seq.s32 s5, $0x0;
	s5 =	sld [smem:$0x3FB3]  }
0x2b: {  	s6 =	sld [smem:$0x3FB4]  }
0x2c: {  	s7 =	sld [smem:$0x3FB5]  }
0x2d: {  	s3 =	simm.s32 $0x108;
	s8 =	sld [smem:$0x3FB6]  }
0x2e: {  	s3 =	simm.s32 @!p0 $0x1082;
	s9 =	sld [smem:$0x3FB7]  }
0x2f: {  	lr =	sadd.s32 s0, s3;
	s0 =	sld [smem:$0x3FAE]  }
0x30: {  	s3 =	sld [smem:$0x3FB1]  }
0x31: {  	[smem:$0x3FBA] =	sst s10  }
0x32: {  	s10 =	sld [smem:$0x3FB8];
	_ =	sdelay $0x3  }
0x33: {  	p0 =	seq.s32 s10, $0x1;
	s10 =	sld [smem:$0x3FBA];
	_ =	sdelay $0x3  }
0x34: {  	[smem:$0x3FBA] =	sst s10  }
0x35: {  	s10 =	sld [smem:$0x3FB9];
	_ =	sdelay $0x3  }
0x36: {  	p1 =	seq.s32 s10, $0x1;
	s10 =	sld [smem:$0x3FBA];
	_ =	sdelay $0x3  }
0x37: {  	[smem:$0x3FBA] =	sst s10  }
0x38: {  	s10 =	sld [smem:$0x3FBB]  }
0x39: {  	_ = 	snop;
	(pc) =	sbr.ind lr, $3  }
0x3a: {  	_ = 	snop  }
0x3b: {  	_ = 	snop  }
0x3c: {  	p2 =	seq.s32 s10, $0x1;
	s10 =	sld [smem:$0x3FBA]  }
0x3d: {  	_ =	shalt  }
0x3e: {  	_ =	shalt  }
0x3f: {  	_ =	shalt  }
0x40: {  	_ =	shalt  }
0x41: {  	_ =	shalt  }
0x42: {  	_ =	shalt  }
0x43: {  	_ =	shalt  }
0x44: {  	_ =	shalt  }
0x45: {  	_ =	shalt  }
0x46: {  	_ =	shalt  }
0x47: {  	_ =	shalt  }
0x48: {  	_ =	shalt  }
0x49: {  	_ =	shalt  }
0x4a: {  	_ =	shalt  }
0x4b: {  	_ =	shalt  }
0x4c: {  	_ =	shalt  }
0x4d: {  	_ =	shalt  }
0x4e: {  	_ =	shalt  }
0x4f: {  	_ =	shalt  }
0x50: {  	_ =	shalt  }
0x51: {  	_ =	shalt  }
0x52: {  	_ =	shalt  }
0x53: {  	_ =	shalt  }
0x54: {  	_ =	shalt  }
0x55: {  	_ =	shalt  }
0x56: {  	_ =	shalt  }
0x57: {  	_ =	shalt  }
0x58: {  	_ =	shalt  }
0x59: {  	_ =	shalt  }
0x5a: {  	_ =	shalt  }
0x5b: {  	_ =	shalt  }
0x5c: {  	_ =	shalt  }
0x5d: {  	_ =	shalt  }
0x5e: {  	_ =	shalt  }
0x5f: {  	_ =	shalt  }
0x60: {  	_ =	shalt  }
0x61: {  	_ =	shalt  }
0x62: {  	_ =	shalt  }
0x63: {  	_ =	shalt  }
0x64: {  	_ =	shalt  }
0x65: {  	_ =	shalt  }
0x66: {  	_ =	shalt  }
0x67: {  	_ =	shalt  }
0x68: {  	_ =	shalt  }
0x69: {  	_ =	shalt  }
0x6a: {  	_ =	shalt  }
0x6b: {  	_ =	shalt  }
0x6c: {  	_ =	shalt  }
0x6d: {  	_ =	shalt  }
0x6e: {  	_ =	shalt  }
0x6f: {  	_ =	shalt  }
0x70: {  	_ =	shalt  }
0x71: {  	_ =	shalt  }
0x72: {  	_ =	shalt  }
0x73: {  	_ =	shalt  }
0x74: {  	_ =	shalt  }
0x75: {  	_ =	shalt  }
0x76: {  	_ =	shalt  }
0x77: {  	_ =	shalt  }
0x78: {  	_ =	shalt  }
0x79: {  	_ =	shalt  }
0x7a: {  	_ =	shalt  }
0x7b: {  	_ =	shalt  }
0x7c: {  	_ =	shalt  }
0x7d: {  	_ =	shalt  }
0x7e: {  	_ =	shalt  }
0x7f: {  	_ =	shalt  }
0x80: {  	_ =	shalt  }
0x81: {  	_ =	shalt  }
0x82: {  	_ =	shalt  }
0x83: {  	_ =	shalt  }
0x84: {  	_ =	shalt  }
0x85: {  	_ =	shalt  }
0x86: {  	_ =	shalt  }
0x87: {  	_ =	shalt  }
.Lfunc_end0:
.L_simem_size_0:
called_computation_lowered:
.L_overlay_start_0:
0x88: {  	s2 =	sld [smem:$0x3FD9]  }
0x89: {  	s3 =	sld [smem:$0x3FFE];
	_ =	sdelay $0x1  }
0x8a: {  	s1 =	srdreg.scid  }
0x8b: {  	s0 =	sand.u32 $0x1, s1  }
0x8c: {  	s17 =	sshll.u32 s0, $0xA;
	s2 =	sadd.s32 s3, s2  }
0x8d: {  	s2 =	sadd.s32 s2, s17  }
0x8e: {  	[smem:$0x3FC6] =	sst s2  }
0x8f: {  	_ = 	snop  }
0x90: {  	s2 =	sld [smem:$0x3FD0];
	(tm) =	ssettm $0x1  }
0x91: {  	s18 =	sld [smem:$0x3FFB];
	_ =	sdelay $0x3  }
0x92: {  	_ =	strace s18  }
0x93: {  	s3 =	sld [smem:$0x3FFC];
	_ =	sdelay $0x3  }
0x94: {  	_ =	strace s3  }
0x95: {  	s3 =	sld [smem:$0x3FFD];
	_ =	sdelay $0x3  }
0x96: {  	_ =	strace s3  }
0x97: {  	_ =	strace $0x8FFFFFFF  }
0x98: {  	s19 =	sld [smem:$0x3FDB];
	_ =	sdelay $0x1  }
0x99: {  	s4 =	simm.s32 $_scs_section_size  }
0x9a: {  	s5 =	simm.s32 $_size__tile_overlayer_lowered;
	s6 =	simm.s32 $_tile_overlayer_lowered  }
0x9b: {  	s22 =	simm.s32 $0x1BFF;
	s21 =	sshll.u32 s6, $0x1;
	s3 =	sadd.s32 s4, s19  }
0x9c: {  	s7 =	simm.s32 $0x0;
	s20 =	sshll.u32 s5, $0x1;
	s5 =	sadd.s32 s21, s3  }
0x9d: {  	[timem:s7], [sflag:s22] =	dma.local [hbm:s5], s20  }
0x9e: {  	_ =	swait.ge [sflag:s22], s20  }
0x9f: {  	s4 =	ssub.s32 $0x0, s20;
	[sflag:s22] =	ssyncset.done $0x0  }
0xa0: {  	[sflag:s22] =	ssyncadd.s32 s4;
	_ =	sdelay $0x1  }
0xa1: {  	s23 =	simm.s32 $0x1B8B  }
0xa2: {  	_ =	swait.ge [sflag:s23], $0x1  }
0xa3: {  	[sflag:s23] =	ssyncset.done $0x0  }
0xa4: {  	s25 =	simm.s32 $0x1B8E;
	s24 =	sld [smem:$0x3FFE];
	[sflag:s23] =	ssyncadd.s32 $0xFFFFFFFF  }
0xa5: {  	s26 =	simm.s32 $execute0_lowered;
	[smem:$0x3FD2] =	sst s25  }
0xa6: {  	s5 =	sshll.u32 s26, $0x1;
	_ =	strace $0x80000046;
	[dreg:$0x1] =	wrdreg $0xFFFFFFFF  }
0xa7: {  	s28 =	simm.s32 $_size_execute0_lowered;
	s3 =	sadd.s32 s3, s5;
	[dreg:$0x0] =	wrdreg $0x0  }
0xa8: {  	s5 =	sshll.u32 s28, $0x1;
	[dreg:$0x2] =	wrdreg s3  }
0xa9: {  	[dreg:$0x3] =	wrdreg s5  }
0xaa: {  	[dreg:$0x4] =	wrdreg $0xC0  }
0xab: {  	_ =	task [dreg:s7], $0x5FFFF  }
0xac: {  	[dreg:$0x1] =	wrdreg $0xFFFFFFFF  }
0xad: {  	[dreg:$0x0] =	wrdreg $0x60  }
0xae: {  	[dreg:$0x2] =	wrdreg s2  }
0xaf: {  	[dreg:$0x3] =	wrdreg s24  }
0xb0: {  	[dreg:$0x4] =	wrdreg $0x188000  }
0xb1: {  	[dreg:$0x5] =	wrdreg $0x9  }
0xb2: {  	_ =	task.clear_ibuf [dreg:s7], $0x6FFFF;
	_ =	strace $0x90000046  }
0xb3: {  	s29 =	simm.s32 $0x9;
	_ =	strace $0x80000048  }
0xb4: {  	_ =	swait.ge [sflag:s29], $0x1  }
0xb5: {  	[sflag:s29] =	ssyncadd.s32 $0xFFFFFFFF  }
0xb6: {  	_ =	strace $0x90000048  }
0xb7: {  	_ =	sfence  }
0xb8: {  	s30 =	sld [smem:$0x0];
	_ =	sdelay $0x2  }
0xb9: {  	s31 =	sshll.u32 s1, $0xD;
	s1 =	sshrl.u32 s1, $0x2  }
0xba: {  	s3 =	sand.u32 $0x4000, s31;
	s1 =	sadd.s32 s1, s30  }
0xbb: {  	s0 =	sor.u32 s3, s0;
	s1 =	sshll.u32 s1, $0x11  }
0xbc: {  	s0 =	sor.u32 s1, s0  }
0xbd: {  	s0 =	sadd.s32 $0x8F2B, s0  }
0xbe: {  	[sflag:s0] =	ssyncadd.remote.s32 $0x1  }
0xbf: {  	_ =	sfence.sel $0xFFFF  }
0xc0: {  	[dreg:$0x0] =	wrdreg $0xFFFFFFFF;
	(pc) =	sbr.abs _section_cstart, $3  }
0xc1: {  	[dreg:$0x1] =	wrdreg $0xFFFFFFFF  }
0xc2: {  	_ =	task.clear_ibuf [dreg:s7], $0x2FFFF;
	_ =	strace $0x9FFFFFFF  }
0xc3: {  	(tm) =	ssettm $0x7FFFFFFF  }
tec
execute0_lowered:
.L_overlay_start_1:
0x0: {  	(tag) =	ssettag $0x1  }
0x1: {  	s1 =	rddreg [dreg:$0x0]  }
0x2: {  	s0 =	rddreg [dreg:$0x1]  }
0x3: {  	s2 =	rddreg [dreg:$0x2];
	s3 =	simm.s32 $0x0  }
0x4: {  	s18 =	srdreg.scid;
	s10 =	stileid.u32;
	s17 =	simm.s32 $0x1  }
0x5: {  	[smem:$0x7FF] =	sst s3;
	s3 =	sand.u32 $0x1, s18;
	s4 =	sadd.s32 $0x600, s0  }
0x6: {  	s6 =	sshll.u32 s10, $0x11;
	s7 =	sand.u32 $0x1, s10;
	s0 =	sadd.s32 $0x80600, s0  }
0x7: {  	s20 =	sshll.u32 s10, $0xA;
	s5 =	ssub.s32 $0x2, s3;
	s8 =	sshll.u32 s3, $0x15  }
0x8: {  	s6 =	sand.u32 $0x1C0000, s6;
	s19 =	sshll.u32 s7, $0x11;
	s3 =	sshll.u32 s3, $0xE  }
0x9: {  	s7 =	sshll.u32 s7, $0xB;
	s9 =	sshrl.u32 s5, $0x1;
	s6 =	sor.u32 s8, s6  }
0xa: {  	s2 =	sadd.s32 s3, s2;
	s21 =	ssub.s32 s20, s7;
	s9 =	ssub.s32 s5, s9  }
0xb: {  	s5 =	sor.u32 s19, s6;
	s6 =	sadd.s32 s20, s2;
	s2 =	sadd.s32 s2, s21  }
0xc: {  	_ =	strace $0x80000047;
	[dreg:$0x4] =	wrdreg s6;
	s2 =	sadd.s32 $0x400, s2  }
0xd: {  	s14 =	sshrl.u32 s5, $0x3;
	s24 =	smax.u32 s9, $0x1;
	[dreg:$0x5] =	wrdreg s2  }
0xe: {  	s18 =	simm.s32 $0x8000;
	[dreg:$0x7] =	wrdreg s24;
	s25 =	sadd.s32 s1, s14  }
0xf: {  	s22 =	sor.u32 $0x3000, s14;
	s26 =	sadd.s32 s0, s14;
	[dreg:$0x8] =	wrdreg s25  }
0x10: {  	s28 =	sor.u32 $0x1000, s14;
	s23 =	sadd.s32 s0, s22;
	[dreg:$0x9] =	wrdreg s26  }
0x11: {  	s21 =	simm.s32 $0x10000;
	s29 =	sadd.s32 s1, s28;
	[dreg:$0x6] =	wrdreg s23  }
0x12: {  	s30 =	sor.u32 $0x2000, s14;
	s2 =	sadd.s32 s0, s28;
	[dreg:$0xa] =	wrdreg s29  }
0x13: {  	s31 =	sadd.s32 s1, s30;
	s15 =	sadd.s32 s0, s30;
	[dreg:$0xb] =	wrdreg s2  }
0x14: {  	v0 =	vimm.f32 $0.0e+00;
	s16 =	sadd.s32 s1, s22;
	s22 =	simm.s32 $0x0;
	[dreg:$0xc] =	wrdreg s31  }
.LBB2_1:
0x15: {  	v1 =	vimm.f32 $0.0e+00;
	v2 =	vimm.f32 $0.0e+00  }
0x16: {  	v3 =	vimm.f32 $0.0e+00;
	v4 =	vimm.f32 $0.0e+00;
	v5 =	vimm.f32 $0.0e+00;
	s0 =	simm.s32 $0x0  }
.LBB2_2:
0x17: {  	s2 =	sshll.u32 s0, $0xF  }
0x18: {  	s2 =	sadd.s32 s5, s2  }
0x19: {  	s2 =	sshrl.u32 s2, $0x3  }
0x1a: {  	s19 =	simm.s32 $0x0;
	s3 =	sadd.s32 s1, s2  }
0x1b: {  	[tilespmem:s19], [sflag:$0x1] =	stream.linear.gather [hbm4b:s3+s19], $0x8000, $0x38;
	[tilespmem:$0x188A0] =	vst v63  }
0x1c: {  	_ =	swait.ge [sflag:s17], $0x8000  }
0x1d: {  	[sflag:s17] =	ssyncset.done $0x0  }
0x1e: {  	s2 =	sadd.s32 s4, s2;
	[sflag:s17] =	ssyncadd.s32 $0xFFFF8000  }
0x1f: {  	[tilespmem:s18], [sflag:$0x1] =	stream.linear.gather [hbm4b:s2+s19], $0x8000, $0x38;
	[tilespmem:$0x188A0] =	vst v63  }
0x20: {  	_ =	swait.ge [sflag:s17], $0x8000  }
0x21: {  	[sflag:s17] =	ssyncset.done $0x0  }
0x22: {  	s31 =	simm.s32 $0x0;
	[sflag:s17] =	ssyncadd.s32 $0xFFFF8000  }
0x23: {  	v6 =	vld [tilespmem:s31+$0x8000];
	_ =	sdelay $0x1  }
0x24: {  	v7 =	vld [tilespmem:s31+$0x0];
	_ =	sdelay $0x1  }
0x25: {  	s2 =	simm.s32 $0x40  }
.LBB2_3:
0x26: {  	s3 =	sshra.s32 s2, $0x2;
	p0 =	sne.s32 s2, $0x1FFC0;
	s2 =	sadd.s32 $0x40, s2;
	vm0 =	vgt.f32 v6, $9.999999970e-07;
	vm1 =	vle.f32 v6, $2.000000000e+01;
	v8 =	vmov v6  }
.Ltmp0:
0x27: {  	v6 =	vld [tilespmem:s3+$0x8000];
	vm0 =	vmand vm0, vm1;
	(pc) =	sbr.rel @p0 .LBB2_3-.Ltmp0, $4  }
0x28: {  	v9 =	vnsel vm0, $0x0, v7;
	v8 =	vnsel vm0, $0x0, v8;
	v10 =	vsel vm0, $0x3F800000, v0  }
0x29: {  	v7 =	vld [tilespmem:s3+$0x0];
	v5 =	vadd.f32 v10, v5;
	v10 =	vmul.f32 v9, v9;
	v11 =	vmul.f32 v8, v9  }
0x2a: {  	v4 =	vadd.f32 v9, v4;
	v2 =	vadd.f32 v8, v2  }
0x2b: {  	v3 =	vadd.f32 v10, v3;
	v1 =	vadd.f32 v11, v1  }
0x2c: {  	s0 =	sadd.s32 $0x1, s0  }
0x2d: {  	vm0 =	vgt.f32 v6, $9.999999970e-07;
	vm1 =	vle.f32 v6, $2.000000000e+01;
	p0 =	sne.s32 s0, $0x4  }
.Ltmp1:
0x2e: {  	vm0 =	vmand vm0, vm1;
	(pc) =	sbr.rel @p0 .LBB2_2-.Ltmp1, $4  }
0x2f: {  	v7 =	vnsel vm0, $0x0, v7;
	v6 =	vnsel vm0, $0x0, v6;
	v8 =	vsel vm0, $0x3F800000, v0  }
0x30: {  	v5 =	vadd.f32 v8, v5;
	v63 =	vmul.f32 v7, v7;
	v9 =	vmul.f32 v6, v7  }
0x31: {  	v4 =	vadd.f32 v7, v4;
	v2 =	vadd.f32 v6, v2  }
0x32: {  	v3 =	vadd.f32 v63, v3;
	v1 =	vadd.f32 v9, v1  }
0x33: {  	[tilespmem:$0x18000] =	vst v5  }
0x34: {  	[tilespmem:$0x18080] =	vst v4  }
0x35: {  	[tilespmem:$0x18180] =	vst v2  }
0x36: {  	[tilespmem:$0x18100] =	vst v3  }
0x37: {  	s0 =	rddreg [dreg:$0x4];
	s2 =	simm.s32 $0x18000;
	[tilespmem:$0x18200] =	vst v1  }
0x38: {  	[spmem:s0] =	stream.linear.scatter [tilespmem:s2], [sflag:$0x1], $0x280, $0x38;
	[tilespmem:$0x188A0] =	vst v63  }
0x39: {  	_ =	swait.ge [sflag:s17], $0x280  }
0x3a: {  	[sflag:s17] =	ssyncset.done $0x0  }
0x3b: {  	[sflag:s17] =	ssyncadd.s32 $0xFFFFFD80  }
0x3c: {  	[bflag:$0x0] =	sbarrier.arrive $0xFFFF  }
0x3d: {  	s9 =	simm.s32 $0x18400;
	s8 =	rddreg [dreg:$0x5]  }
0x3e: {  	[tilespmem:s9], [sflag:$0x1] =	stream.linear.gather [spmem:s8], $0x280, $0x38;
	[tilespmem:$0x188A0] =	vst v63  }
0x3f: {  	_ =	swait.ge [sflag:s17], $0x280  }
0x40: {  	[sflag:s17] =	ssyncset.done $0x0  }
0x41: {  	[sflag:s17] =	ssyncadd.s32 $0xFFFFFD80  }
0x42: {  	v1 =	vld [tilespmem:$0x18000]  }
0x43: {  	v2 =	vld [tilespmem:$0x18400];
	_ =	sdelay $0x4  }
0x44: {  	v1 =	vadd.f32 v2, v1;
	_ =	sdelay $0x1  }
0x45: {  	(v2sf) =	vpush v1, $0x0  }
0x46: {  	(v2sf) =	vpush v1, $0x1  }
0x47: {  	(v2sf) =	vpush v1, $0x2  }
0x48: {  	(v2sf) =	vpush v1, $0x3  }
0x49: {  	(v2sf) =	vpush v1, $0x4  }
0x4a: {  	(v2sf) =	vpush v1, $0x5  }
0x4b: {  	(v2sf) =	vpush v1, $0x6  }
0x4c: {  	(v2sf) =	vpush v1, $0x7  }
0x4d: {  	v3 =	vld [tilespmem:$0x18480];
	(v2sf) =	vpush v1, $0x8  }
0x4e: {  	v2 =	vld [tilespmem:$0x18080];
	(v2sf) =	vpush v1, $0x9  }
0x4f: {  	(v2sf) =	vpush v1, $0xA  }
0x50: {  	(v2sf) =	vpush v1, $0xB  }
0x51: {  	(v2sf) =	vpush v1, $0xC  }
0x52: {  	(v2sf) =	vpush v1, $0xD  }
0x53: {  	v2 =	vadd.f32 v3, v2;
	(v2sf) =	vpush v1, $0xE  }
0x54: {  	s10 =	spop (v2sf);
	(v2sf) =	vpush v1, $0xF  }
0x55: {  	s11 =	spop (v2sf);
	(v2sf) =	vpush v2, $0x0  }
0x56: {  	s3 =	spop (v2sf);
	(v2sf) =	vpush v2, $0x1  }
0x57: {  	s19 =	spop (v2sf);
	(v2sf) =	vpush v2, $0x2  }
0x58: {  	s23 =	spop (v2sf);
	(v2sf) =	vpush v2, $0x3  }
0x59: {  	s24 =	spop (v2sf);
	(v2sf) =	vpush v2, $0x4  }
0x5a: {  	s0 =	sadd.f32 s11, s10;
	s12 =	spop (v2sf);
	(v2sf) =	vpush v2, $0x5  }
0x5b: {  	s25 =	spop (v2sf);
	(v2sf) =	vpush v2, $0x6  }
0x5c: {  	s0 =	sadd.f32 s0, s3;
	s13 =	spop (v2sf);
	(v2sf) =	vpush v2, $0x7  }
0x5d: {  	v3 =	vld [tilespmem:$0x18500];
	s26 =	spop (v2sf);
	(v2sf) =	vpush v2, $0x8  }
0x5e: {  	v1 =	vld [tilespmem:$0x18100];
	s0 =	sadd.f32 s0, s19;
	s28 =	spop (v2sf);
	(v2sf) =	vpush v2, $0x9  }
0x5f: {  	s29 =	spop (v2sf);
	(v2sf) =	vpush v2, $0xA  }
0x60: {  	s0 =	sadd.f32 s0, s23;
	s14 =	spop (v2sf);
	(v2sf) =	vpush v2, $0xB  }
0x61: {  	s20 =	spop (v2sf);
	(v2sf) =	vpush v2, $0xC  }
0x62: {  	s0 =	sadd.f32 s0, s24;
	s6 =	spop (v2sf);
	(v2sf) =	vpush v2, $0xD  }
0x63: {  	v1 =	vadd.f32 v3, v1;
	s7 =	spop (v2sf);
	(v2sf) =	vpush v2, $0xE  }
0x64: {  	s0 =	sadd.f32 s0, s12;
	s8 =	spop (v2sf);
	(v2sf) =	vpush v2, $0xF  }
0x65: {  	s9 =	spop (v2sf);
	(v2sf) =	vpush v1, $0x0  }
0x66: {  	s0 =	sadd.f32 s0, s25;
	s10 =	spop (v2sf);
	(v2sf) =	vpush v1, $0x1  }
0x67: {  	s11 =	spop (v2sf);
	(v2sf) =	vpush v1, $0x2  }
0x68: {  	s0 =	sadd.f32 s0, s13;
	s12 =	spop (v2sf);
	(v2sf) =	vpush v1, $0x3  }
0x69: {  	s19 =	spop (v2sf);
	(v2sf) =	vpush v1, $0x4  }
0x6a: {  	s0 =	sadd.f32 s0, s26;
	s3 =	spop (v2sf);
	(v2sf) =	vpush v1, $0x5  }
0x6b: {  	s2 =	spop (v2sf);
	(v2sf) =	vpush v1, $0x6  }
0x6c: {  	s13 =	sadd.f32 s0, s28;
	s0 =	spop (v2sf);
	(v2sf) =	vpush v1, $0x7  }
0x6d: {  	v3 =	vld [tilespmem:$0x18580];
	s31 =	spop (v2sf);
	(v2sf) =	vpush v1, $0x8  }
0x6e: {  	v2 =	vld [tilespmem:$0x18180];
	s24 =	sadd.f32 s13, s29;
	s30 =	spop (v2sf);
	(v2sf) =	vpush v1, $0x9  }
0x6f: {  	s29 =	spop (v2sf);
	(v2sf) =	vpush v1, $0xA  }
0x70: {  	s23 =	sadd.f32 s24, s14;
	s28 =	spop (v2sf);
	(v2sf) =	vpush v1, $0xB  }
0x71: {  	s26 =	spop (v2sf);
	(v2sf) =	vpush v1, $0xC  }
0x72: {  	s20 =	sadd.f32 s23, s20;
	s25 =	spop (v2sf);
	(v2sf) =	vpush v1, $0xD  }
0x73: {  	v2 =	vadd.f32 v3, v2;
	s24 =	spop (v2sf);
	(v2sf) =	vpush v1, $0xE  }
0x74: {  	s6 =	sadd.f32 s20, s6;
	s14 =	spop (v2sf);
	(v2sf) =	vpush v1, $0xF  }
0x75: {  	s9 =	sadd.f32 s9, s8;
	s13 =	spop (v2sf);
	(v2sf) =	vpush v2, $0x0  }
0x76: {  	s23 =	sadd.f32 s6, s7;
	s6 =	spop (v2sf);
	(v2sf) =	vpush v2, $0x1  }
0x77: {  	s7 =	sadd.f32 s9, s10;
	s8 =	spop (v2sf);
	(v2sf) =	vpush v2, $0x2  }
0x78: {  	s14 =	sadd.f32 s13, s14;
	s13 =	spop (v2sf);
	(v2sf) =	vpush v2, $0x3  }
0x79: {  	s7 =	sadd.f32 s7, s11;
	s10 =	spop (v2sf);
	(v2sf) =	vpush v2, $0x4  }
0x7a: {  	s6 =	sadd.f32 s14, s6;
	s20 =	spop (v2sf);
	(v2sf) =	vpush v2, $0x5  }
0x7b: {  	s7 =	sadd.f32 s7, s12;
	s14 =	spop (v2sf);
	(v2sf) =	vpush v2, $0x6  }
0x7c: {  	s6 =	sadd.f32 s6, s8;
	s8 =	spop (v2sf);
	(v2sf) =	vpush v2, $0x7  }
0x7d: {  	v3 =	vld [tilespmem:$0x18600];
	s7 =	sadd.f32 s7, s19;
	s12 =	spop (v2sf);
	(v2sf) =	vpush v2, $0x8  }
0x7e: {  	v1 =	vld [tilespmem:$0x18200];
	s6 =	sadd.f32 s6, s13;
	s13 =	spop (v2sf);
	(v2sf) =	vpush v2, $0x9  }
0x7f: {  	s3 =	sadd.f32 s7, s3;
	s19 =	spop (v2sf);
	(v2sf) =	vpush v2, $0xA  }
0x80: {  	s6 =	sadd.f32 s6, s10;
	s10 =	spop (v2sf);
	(v2sf) =	vpush v2, $0xB  }
0x81: {  	s2 =	sadd.f32 s3, s2;
	s7 =	spop (v2sf);
	(v2sf) =	vpush v2, $0xC  }
0x82: {  	s6 =	sadd.f32 s6, s20;
	s9 =	spop (v2sf);
	(v2sf) =	vpush v2, $0xD  }
0x83: {  	v1 =	vadd.f32 v3, v1;
	s0 =	sadd.f32 s2, s0;
	s20 =	spop (v2sf);
	(v2sf) =	vpush v2, $0xE  }
0x84: {  	s14 =	sadd.f32 s6, s14;
	s6 =	spop (v2sf);
	(v2sf) =	vpush v2, $0xF  }
0x85: {  	s0 =	sadd.f32 s0, s31;
	s11 =	spop (v2sf);
	(v2sf) =	vpush v1, $0x0  }
0x86: {  	s14 =	sadd.f32 s14, s8;
	s8 =	spop (v2sf);
	(v2sf) =	vpush v1, $0x1  }
0x87: {  	s0 =	sadd.f32 s0, s30;
	s31 =	spop (v2sf)  }
0x88: {  	s2 =	sadd.f32 s14, s12;
	(v2sf) =	vpush v1, $0x2;
	s12 =	spop (v2sf)  }
0x89: {  	s0 =	sadd.f32 s0, s29;
	s30 =	spop (v2sf)  }
0x8a: {  	s2 =	sadd.f32 s2, s13;
	(v2sf) =	vpush v1, $0x3;
	s13 =	spop (v2sf)  }
0x8b: {  	s0 =	sadd.f32 s0, s28;
	s29 =	spop (v2sf)  }
0x8c: {  	(v2sf) =	vpush v1, $0x4;
	s2 =	sadd.f32 s2, s19;
	s14 =	spop (v2sf)  }
0x8d: {  	s6 =	sadd.f32 s11, s6;
	s28 =	spop (v2sf)  }
0x8e: {  	(v2sf) =	vpush v1, $0x5;
	s2 =	sadd.f32 s2, s10;
	s10 =	spop (v2sf)  }
0x8f: {  	s0 =	sadd.f32 s0, s26;
	s26 =	spop (v2sf)  }
0x90: {  	s2 =	sadd.f32 s2, s7;
	s7 =	spop (v2sf);
	(v2sf) =	vpush v1, $0x6  }
0x91: {  	s0 =	sadd.f32 s0, s25;
	s25 =	spop (v2sf)  }
0x92: {  	s2 =	sadd.f32 s2, s9;
	(v2sf) =	vpush v1, $0x7;
	s3 =	spop (v2sf)  }
0x93: {  	s6 =	sadd.f32 s6, s8;
	s19 =	spop (v2sf)  }
0x94: {  	s2 =	sadd.f32 s2, s20;
	(v2sf) =	vpush v1, $0x8;
	s20 =	spop (v2sf)  }
0x95: {  	s0 =	sadd.f32 s0, s24;
	s24 =	spop (v2sf)  }
0x96: {  	(v2sf) =	vpush v1, $0x9;
	s9 =	sadd.f32 s24, s20  }
0x97: {  	s6 =	sadd.f32 s6, s31;
	s11 =	spop (v2sf)  }
0x98: {  	(v2sf) =	vpush v1, $0xA;
	s8 =	sadd.f32 s9, s11  }
0x99: {  	s6 =	sadd.f32 s6, s12;
	s20 =	spop (v2sf)  }
0x9a: {  	(v2sf) =	vpush v1, $0xB;
	s8 =	sadd.f32 s8, s20  }
0x9b: {  	s6 =	sadd.f32 s6, s30;
	s24 =	spop (v2sf)  }
0x9c: {  	(v2sf) =	vpush v1, $0xC;
	s8 =	sadd.f32 s8, s24  }
0x9d: {  	s6 =	sadd.f32 s6, s13;
	s30 =	spop (v2sf)  }
0x9e: {  	(v2sf) =	vpush v1, $0xD;
	s8 =	sadd.f32 s8, s30  }
0x9f: {  	s6 =	sadd.f32 s6, s29;
	s31 =	spop (v2sf)  }
0xa0: {  	(v2sf) =	vpush v1, $0xE;
	s8 =	sadd.f32 s8, s31  }
0xa1: {  	s6 =	sadd.f32 s6, s14;
	s11 =	spop (v2sf)  }
0xa2: {  	(v2sf) =	vpush v1, $0xF;
	s8 =	sadd.f32 s8, s11  }
0xa3: {  	s6 =	sadd.f32 s6, s28;
	s12 =	spop (v2sf)  }
0xa4: {  	s14 =	smul.f32 s0, s0;
	v1 =	vmov s23;
	s8 =	sadd.f32 s8, s12  }
0xa5: {  	s6 =	sadd.f32 s6, s10;
	v2 =	vmul.f32 s2, v1;
	s13 =	spop (v2sf)  }
0xa6: {  	v3 =	vmov s14;
	s8 =	sadd.f32 s8, s13  }
0xa7: {  	s6 =	sadd.f32 s6, s26;
	s20 =	spop (v2sf);
	v2 =	vsub.f32 v2, v3  }
0xa8: {  	s8 =	sadd.f32 s8, s20  }
0xa9: {  	s6 =	sadd.f32 s6, s7;
	s23 =	spop (v2sf);
	v3 =	vand.u32 $0x7FFFFFFF, v2  }
0xaa: {  	vm0 =	vge.f32 v1, $1.000000000e+01;
	vm1 =	vge.f32 v3, $9.999999930e-09;
	s8 =	sadd.f32 s8, s23  }
0xab: {  	s6 =	sadd.f32 s6, s25;
	s24 =	spop (v2sf);
	vm0 =	vmand vm0, vm1  }
0xac: {  	v2 =	vnsel vm0, $0x3F800000, v2;
	s7 =	sadd.f32 s8, s24  }
0xad: {  	s3 =	sadd.f32 s6, s3;
	s26 =	spop (v2sf);
	(erf) = vrcp.f32 v2  }
0xae: {  	s7 =	sadd.f32 s7, s26  }
0xaf: {  	s3 =	sadd.f32 s3, s19;
	s28 =	spop (v2sf)  }
0xb0: {  	s6 =	sadd.f32 s7, s28  }
0xb1: {  	v2 =	vmov s0;
	s29 =	spop (v2sf)  }
0xb2: {  	v4 =	vmul.f32 s3, v2;
	s6 =	sadd.f32 s6, s29;
	_ =	sdelay $0x1  }
0xb3: {  	v1 =	vmul.f32 s6, v1  }
0xb4: {  	s30 =	simm.s32 $0x0;
	s31 =	rddreg [dreg:$0x8]  }
0xb5: {  	[tilespmem:s30], [sflag:$0x1] =	stream.linear.gather [hbm4b:s31+s30], $0x8000, $0x38;
	v3 =	vmov s2;
	v1 =	vsub.f32 v1, v4;
	v4 =	vpop (erf);
	[tilespmem:$0x188A0] =	vst v63  }
0xb6: {  	v3 =	vmul.f32 s3, v3;
	v2 =	vmul.f32 s6, v2;
	_ =	swait.ge [sflag:s17], $0x8000  }
0xb7: {  	[sflag:s17] =	ssyncset.done $0x0  }
0xb8: {  	s0 =	simm.s32 $0x0;
	v2 =	vsub.f32 v3, v2;
	[sflag:s17] =	ssyncadd.s32 $0xFFFF8000  }
0xb9: {  	v3 =	vld [tilespmem:s0+$0x0]  }
0xba: {  	v1 =	vmul.f32 v4, v1;
	v2 =	vmul.f32 v4, v2;
	_ =	sdelay $0x1  }
0xbb: {  	s2 =	simm.s32 $0x40;
	v1 =	vnsel vm0, $0x3F800000, v1;
	v2 =	vnsel vm0, $0x0, v2  }
.LBB2_6:
0xbc: {  	p0 =	sne.s32 s2, $0x1FFC0  }
.Ltmp2:
0xbd: {  	s3 =	sshra.s32 s2, $0x2;
	s2 =	sadd.s32 $0x40, s2;
	v4 =	vmul.f32 v3, v1;
	(pc) =	sbr.rel @p0 .LBB2_6-.Ltmp2, $3  }
0xbe: {  	v3 =	vld [tilespmem:s3+$0x0]  }
0xbf: {  	v4 =	vadd.f32 v4, v2;
	_ =	sdelay $0x1  }
0xc0: {  	[tilespmem:s0+$0x10000] =	vst v4;
	s0 =	smov.u32 s3  }
0xc1: {  	_ = 	snop  }
0xc2: {  	v3 =	vmul.f32 v3, v1;
	_ =	sdelay $0x1  }
0xc3: {  	v3 =	vadd.f32 v3, v2;
	_ =	sdelay $0x1  }
0xc4: {  	s30 =	simm.s32 $0x0;
	s2 =	rddreg [dreg:$0x9];
	[tilespmem:s0+$0x10000] =	vst v3  }
0xc5: {  	[hbm4b:s2+s30] =	stream.linear.scatter [tilespmem:s21], [sflag:$0x1], $0x8000, $0x38;
	[tilespmem:$0x188A0] =	vst v63  }
0xc6: {  	_ =	swait.ge [sflag:s17], $0x8000  }
0xc7: {  	[sflag:s17] =	ssyncset.done $0x0  }
0xc8: {  	s31 =	rddreg [dreg:$0xa];
	[sflag:s17] =	ssyncadd.s32 $0xFFFF8000  }
0xc9: {  	[tilespmem:s30], [sflag:$0x1] =	stream.linear.gather [hbm4b:s31+s30], $0x8000, $0x38;
	[tilespmem:$0x188A0] =	vst v63  }
0xca: {  	_ =	swait.ge [sflag:s17], $0x8000  }
0xcb: {  	[sflag:s17] =	ssyncset.done $0x0  }
0xcc: {  	s0 =	simm.s32 $0x0;
	[sflag:s17] =	ssyncadd.s32 $0xFFFF8000  }
0xcd: {  	v3 =	vld [tilespmem:s0+$0x0];
	_ =	sdelay $0x2  }
0xce: {  	s2 =	simm.s32 $0x40  }
.LBB2_8:
0xcf: {  	p0 =	sne.s32 s2, $0x1FFC0  }
.Ltmp3:
0xd0: {  	s3 =	sshra.s32 s2, $0x2;
	s2 =	sadd.s32 $0x40, s2;
	v4 =	vmul.f32 v3, v1;
	(pc) =	sbr.rel @p0 .LBB2_8-.Ltmp3, $3  }
0xd1: {  	v3 =	vld [tilespmem:s3+$0x0]  }
0xd2: {  	v4 =	vadd.f32 v4, v2;
	_ =	sdelay $0x1  }
0xd3: {  	[tilespmem:s0+$0x10000] =	vst v4;
	s0 =	smov.u32 s3  }
0xd4: {  	_ = 	snop  }
0xd5: {  	v3 =	vmul.f32 v3, v1;
	_ =	sdelay $0x1  }
0xd6: {  	v3 =	vadd.f32 v3, v2;
	_ =	sdelay $0x1  }
0xd7: {  	s30 =	simm.s32 $0x0;
	s2 =	rddreg [dreg:$0xb];
	[tilespmem:s0+$0x10000] =	vst v3  }
0xd8: {  	[hbm4b:s2+s30] =	stream.linear.scatter [tilespmem:s21], [sflag:$0x1], $0x8000, $0x38;
	[tilespmem:$0x188A0] =	vst v63  }
0xd9: {  	_ =	swait.ge [sflag:s17], $0x8000  }
0xda: {  	[sflag:s17] =	ssyncset.done $0x0  }
0xdb: {  	s31 =	rddreg [dreg:$0xc];
	[sflag:s17] =	ssyncadd.s32 $0xFFFF8000  }
0xdc: {  	[tilespmem:s30], [sflag:$0x1] =	stream.linear.gather [hbm4b:s31+s30], $0x8000, $0x38;
	[tilespmem:$0x188A0] =	vst v63  }
0xdd: {  	_ =	swait.ge [sflag:s17], $0x8000  }
0xde: {  	[sflag:s17] =	ssyncset.done $0x0  }
0xdf: {  	s0 =	simm.s32 $0x0;
	[sflag:s17] =	ssyncadd.s32 $0xFFFF8000  }
0xe0: {  	v3 =	vld [tilespmem:s0+$0x0];
	_ =	sdelay $0x2  }
0xe1: {  	s2 =	simm.s32 $0x40  }
.LBB2_10:
0xe2: {  	p0 =	sne.s32 s2, $0x1FFC0  }
.Ltmp4:
0xe3: {  	s3 =	sshra.s32 s2, $0x2;
	s2 =	sadd.s32 $0x40, s2;
	v4 =	vmul.f32 v3, v1;
	(pc) =	sbr.rel @p0 .LBB2_10-.Ltmp4, $3  }
0xe4: {  	v3 =	vld [tilespmem:s3+$0x0]  }
0xe5: {  	v4 =	vadd.f32 v4, v2;
	_ =	sdelay $0x1  }
0xe6: {  	[tilespmem:s0+$0x10000] =	vst v4;
	s0 =	smov.u32 s3  }
0xe7: {  	_ = 	snop  }
0xe8: {  	v3 =	vmul.f32 v3, v1;
	_ =	sdelay $0x1  }
0xe9: {  	v3 =	vadd.f32 v3, v2;
	_ =	sdelay $0x1  }
0xea: {  	s31 =	simm.s32 $0x0;
	[tilespmem:s0+$0x10000] =	vst v3  }
0xeb: {  	[hbm4b:s15+s31] =	stream.linear.scatter [tilespmem:s21], [sflag:$0x1], $0x8000, $0x38;
	[tilespmem:$0x188A0] =	vst v63  }
0xec: {  	_ =	swait.ge [sflag:s17], $0x8000  }
0xed: {  	[sflag:s17] =	ssyncset.done $0x0  }
0xee: {  	[sflag:s17] =	ssyncadd.s32 $0xFFFF8000  }
0xef: {  	[tilespmem:s31], [sflag:$0x1] =	stream.linear.gather [hbm4b:s16+s31], $0x8000, $0x38;
	[tilespmem:$0x188A0] =	vst v63  }
0xf0: {  	_ =	swait.ge [sflag:s17], $0x8000  }
0xf1: {  	[sflag:s17] =	ssyncset.done $0x0  }
0xf2: {  	s0 =	simm.s32 $0x0;
	[sflag:s17] =	ssyncadd.s32 $0xFFFF8000  }
0xf3: {  	v3 =	vld [tilespmem:s0+$0x0];
	_ =	sdelay $0x2  }
0xf4: {  	s2 =	simm.s32 $0x40  }
.LBB2_12:
0xf5: {  	p0 =	sne.s32 s2, $0x1FFC0  }
.Ltmp5:
0xf6: {  	s3 =	sshra.s32 s2, $0x2;
	s2 =	sadd.s32 $0x40, s2;
	v4 =	vmul.f32 v3, v1;
	(pc) =	sbr.rel @p0 .LBB2_12-.Ltmp5, $3  }
0xf7: {  	v3 =	vld [tilespmem:s3+$0x0]  }
0xf8: {  	v4 =	vadd.f32 v4, v2;
	_ =	sdelay $0x1  }
0xf9: {  	[tilespmem:s0+$0x10000] =	vst v4;
	s0 =	smov.u32 s3  }
0xfa: {  	_ = 	snop  }
0xfb: {  	v1 =	vmul.f32 v3, v1;
	_ =	sdelay $0x1  }
0xfc: {  	v1 =	vadd.f32 v1, v2;
	_ =	sdelay $0x1  }
0xfd: {  	s30 =	simm.s32 $0x0;
	s2 =	rddreg [dreg:$0x6];
	[tilespmem:s0+$0x10000] =	vst v1  }
0xfe: {  	[hbm4b:s2+s30] =	stream.linear.scatter [tilespmem:s21], [sflag:$0x1], $0x8000, $0x38;
	[tilespmem:$0x188A0] =	vst v63  }
0xff: {  	_ =	swait.ge [sflag:s17], $0x8000  }
0x100: {  	s22 =	sadd.s32 $0x1, s22;
	s31 =	rddreg [dreg:$0x7]  }
0x101: {  	p0 =	sne.s32 s22, s31  }
.Ltmp6:
0x102: {  	_ = 	snop;
	(pc) =	sbr.rel @p0 .LBB2_1-.Ltmp6, $3  }
0x103: {  	_ =	sdelay $0x1  }
0x104: {  	[sflag:s17] =	ssyncset.done $0x0  }
0x105: {  	[sflag:s17] =	ssyncadd.s32 $0xFFFF8000  }
0x106: {  	_ =	sfence.sel $0x180000  }
0x107: {  	[bflag:$0x0] =	sbarrier.arrive $0xFFFF  }
0x108: {  	_ =	strace $0x90000047  }
0x109: {  	s0 =	stileid.u32;
	[bflag:$0x2] =	sbarrier.arrive $0xFFFF  }
0x10a: {  	p0 =	sne.s32 s0, $0x0;
	s0 =	rddreg [dreg:$0x3]  }
0x10b: {  	s0 =	sadd.s32 @!p0 $0x100000, s0  }
0x10c: {  	[sflag:s0] =	ssyncadd.tile.s32 @!p0 $0x1;
	_ =	shalt  }
.Lfunc_end2:
_tile_overlayer_lowered:
.L_overlay_start_2:
0x10d: {  	(tag) =	ssettag $0x2  }
0x10e: {  	s0 =	rddreg [dreg:$0x0];
	s2 =	stileid.u32  }
0x10f: {  	s1 =	rddreg [dreg:$0x1];
	p0 =	sne.s32 s2, $0x0  }
0x110: {  	s3 =	rddreg [dreg:$0x2];
	[bflag:$0x3] =	sbarrier.arrive $0xFFFF;
	s2 =	simm.s32 @!p0 $0x1C01  }
0x111: {  	[timem:s3], [sflag:s2] =	dma.local @!p0 [hbm:s0], s1  }
0x112: {  	s0 =	simm.s32 @!p0 $0x1  }
0x113: {  	_ =	swait.ge @!p0 [sflag:s0], s1  }
0x114: {  	s1 =	ssub.s32 @!p0 $0x0, s1;
	[sflag:s0] =	ssyncset.done @!p0 $0x0  }
0x115: {  	[sflag:s0] =	ssyncadd.s32 @!p0 s1  }
0x116: {  	[bflag:$0x3] =	sbarrier.arrive $0xFFFF  }
0x117: {  	_ =	shalt  }

</sc_bundles>
